<compile_context>
chip_gen: v7x
topology: tpu7x:2x2x1
jax: 0.10.2.dev20260603
libtpu: 0.0.44.dev20260713+nightly
codegen_flags: <defaults>
</compile_context>

<pallas_src>
import functools

import jax
import jax.numpy as jnp
from jax import lax
from jax.experimental import pallas as pl
from jax.experimental.pallas import tpu as pltpu
from jax.experimental.pallas import tpu_sc as plsc

N = 15
E = 210
EL = E + N
D0 = 480
D1 = 1920
G2 = 3
T2 = D1 // G2

RSPLIT = 896
RSC = D1 - RSPLIT
NWORK = 32
RPW = RSC // NWORK
GTC = RSPLIT // 128
ROWG = 16


def _dot(a, b):
    return jax.lax.dot_general(a, b, (((1,), (0,)), ((), ())),
                               preferred_element_type=jnp.float32)


def _dot_t(a, b):
    return jax.lax.dot_general(a, b, (((1,), (1,)), ((), ())),
                               preferred_element_type=jnp.float32)



def _embed_body(f_ref, we1_ref, be1_ref, we2_ref, be2_ref, x1_ref, x0_scr):
    g = pl.program_id(0)

    @pl.when(g == 0)
    def _():
        x0_scr[...] = jnp.maximum(
            _dot_t(f_ref[...], we1_ref[...]) + be1_ref[...], 0.0)

    x1_ref[...] = jnp.maximum(
        _dot_t(x0_scr[...], we2_ref[...]) + be2_ref[0], 0.0)



_sc_mesh = plsc.VectorSubcoreMesh(core_axis_name="c", subcore_axis_name="s")


@functools.partial(
    pl.kernel,
    mesh=_sc_mesh,
    out_type=jax.ShapeDtypeStruct((RSC,), jnp.float32),
    scratch_types=[
        pltpu.VMEM((D1,), jnp.float32),
        pltpu.VMEM((RPW, D1), jnp.float32),
        pltpu.VMEM((RPW,), jnp.float32),
        pltpu.VMEM((RPW,), jnp.float32),
        pltpu.VMEM((ROWG, 16), jnp.float32),
    ],
)
def _sc_gemv(x1_hbm, w_hbm, b_hbm, out_hbm, x1_v, w_v, b_v, o_v, t_v):
    wid = lax.axis_index("s") * 2 + lax.axis_index("c")
    base = RSPLIT + wid * RPW
    pltpu.sync_copy(x1_hbm, x1_v)
    pltpu.sync_copy(w_hbm.at[pl.ds(base, RPW), :], w_v)
    pltpu.sync_copy(b_hbm.at[pl.ds(base, RPW)], b_v)

    lanes = lax.iota(jnp.int32, 16)

    def _row_group(gi, carry):
        r0 = gi * ROWG

        def _chunk(c, accs):
            x1c = x1_v[pl.ds(c * 16, 16)]
            return tuple(accs[j] + w_v[r0 + j, pl.ds(c * 16, 16)] * x1c
                         for j in range(ROWG))

        accs = lax.fori_loop(
            0, D1 // 16, _chunk,
            tuple(jnp.zeros((16,), jnp.float32) for _ in range(ROWG)))
        out = jnp.zeros((16,), jnp.float32)
        for j in range(ROWG):
            a = accs[j]
            for sh in (1, 2, 4, 8):
                a = a + a.at[lanes ^ sh].get(mode="promise_in_bounds")
            out = jnp.where(lanes == j, a, out)
        o_v[pl.ds(r0, ROWG)] = out + b_v[pl.ds(r0, ROWG)]
        return carry

    lax.fori_loop(0, RPW // ROWG, _row_group, 0)
    pltpu.sync_copy(o_v, out_hbm.at[pl.ds(wid * RPW, RPW)])



def _tc_gemv_body(x1_ref, we3_ref, be3_ref, out_ref):
    out_ref[...] = _dot_t(x1_ref[...], we3_ref[...]) + be3_ref[0]



def _tail_body(lo_ref, hi_ref, s_ref, d_ref, tgt_ref,
               wc1_ref, bc1_ref, wc2_ref, bc2_ref,
               watt_ref, wfc_ref, bfc_ref,
               loss_ref, preds_ref):
    lo = lo_ref[...]
    hi = hi_ref[...]
    x2 = jnp.concatenate(
        [lo[:, 128 * n:128 * (n + 1)] for n in range(RSPLIT // 128)]
        + [hi[:, 128 * n:128 * (n + 1)] for n in range(RSC // 128)],
        axis=0)

    s_ids = s_ref[...]
    d_ids = d_ref[...]
    nodes = jax.lax.broadcasted_iota(jnp.int32, (N, EL), 0)
    s_oh = (nodes == s_ids).astype(jnp.float32)
    d_oh = (nodes == d_ids).astype(jnp.float32)
    adj = _dot_t(d_oh, s_oh)
    ones_row = jnp.ones((1, N), jnp.float32)
    ones_col = jnp.ones((N, 1), jnp.float32)
    deg_col = _dot(adj, ones_col)
    deg_row = _dot_t(ones_row, adj)
    dis_col = jnp.where(deg_col > 0, jax.lax.rsqrt(deg_col), 0.0)
    dis_row = jnp.where(deg_row > 0, jax.lax.rsqrt(deg_row), 0.0)
    a_norm = adj * dis_col * dis_row

    h1 = _dot(a_norm, _dot_t(x2, wc1_ref[...])) + bc1_ref[...]
    h1 = jnp.maximum(h1, 0.0)
    h2 = _dot(a_norm, _dot_t(h1, wc2_ref[...])) + bc2_ref[...]

    gc = _dot(ones_row, _dot(h2, watt_ref[...])) * (1.0 / N)
    tg = jnp.tanh(gc)
    scores = jax.nn.sigmoid(_dot_t(h2, tg))
    rep = jnp.sum(h2 * scores, axis=0, keepdims=True)
    logits = _dot_t(rep, wfc_ref[...]) + bfc_ref[...]

    tgt = tgt_ref[...]
    idx3 = jax.lax.broadcasted_iota(jnp.int32, (1, 3), 1)
    tmax = jnp.max(tgt, axis=1, keepdims=True)
    label = jnp.min(jnp.where(tgt >= tmax, idx3, 3), axis=1, keepdims=True)
    m = jnp.max(logits, axis=1, keepdims=True)
    ex = jnp.exp(logits - m)
    sex = jnp.sum(ex, axis=1, keepdims=True)
    logsm = logits - m - jnp.log(sex)
    loss_ref[...] = -jnp.sum(jnp.where(idx3 == label, logsm, 0.0),
                             axis=1, keepdims=True)
    preds_ref[...] = ex / sex


def kernel(features_1, edge_index_1, target, W_e1, b_e1, W_e2, b_e2,
           W_e3, b_e3, W_c1, b_c1, W_c2, b_c2, W_att, W_fc, b_fc):
    loop = jnp.arange(N, dtype=edge_index_1.dtype)
    s = jnp.concatenate([edge_index_1[0], loop]).reshape(1, EL)
    d = jnp.concatenate([edge_index_1[1], loop]).reshape(1, EL)
    f = features_1.reshape(1, N)

    x1 = pl.pallas_call(
        _embed_body,
        grid=(G2,),
        in_specs=[
            pl.BlockSpec((1, N), lambda g: (0, 0)),
            pl.BlockSpec((D0, N), lambda g: (0, 0)),
            pl.BlockSpec((1, D0), lambda g: (0, 0)),
            pl.BlockSpec((T2, D0), lambda g: (g, 0)),
            pl.BlockSpec((1, 1, T2), lambda g: (g, 0, 0)),
        ],
        out_specs=pl.BlockSpec((1, T2), lambda g: (0, g)),
        out_shape=jax.ShapeDtypeStruct((1, D1), jnp.float32),
        scratch_shapes=[pltpu.VMEM((1, D0), jnp.float32)],
    )(f, W_e1, b_e1.reshape(1, D0), W_e2, b_e2.reshape(G2, 1, T2))

    x2_hi = _sc_gemv(x1.reshape(D1), W_e3, b_e3)

    x2_lo = pl.pallas_call(
        _tc_gemv_body,
        grid=(GTC,),
        in_specs=[
            pl.BlockSpec((1, D1), lambda g: (0, 0)),
            pl.BlockSpec((128, D1), lambda g: (g, 0)),
            pl.BlockSpec((1, 1, 128), lambda g: (g, 0, 0)),
        ],
        out_specs=pl.BlockSpec((1, 128), lambda g: (0, g)),
        out_shape=jax.ShapeDtypeStruct((1, RSPLIT), jnp.float32),
    )(x1, W_e3, b_e3[:RSPLIT].reshape(GTC, 1, 128))

    def _full(shape):
        return pl.BlockSpec(shape, lambda: (0,) * len(shape))

    loss2d, preds2d = pl.pallas_call(
        _tail_body,
        in_specs=[
            _full((1, RSPLIT)),
            _full((1, RSC)),
            _full((1, EL)),
            _full((1, EL)),
            _full((1, 3)),
            _full((128, 128)),
            _full((1, 128)),
            _full((64, 128)),
            _full((1, 64)),
            _full((64, 64)),
            _full((3, 64)),
            _full((1, 3)),
        ],
        out_specs=(_full((1, 1)), _full((1, 3))),
        out_shape=(jax.ShapeDtypeStruct((1, 1), jnp.float32),
                   jax.ShapeDtypeStruct((1, 3), jnp.float32)),
    )(x2_lo, x2_hi.reshape(1, RSC), s, d, target.reshape(1, 3),
      W_c1, b_c1.reshape(1, 128), W_c2, b_c2.reshape(1, 64),
      W_att, W_fc, b_fc.reshape(1, 3))
    return (loss2d[0, 0], preds2d[0])

# --- scband reference (transcript-rebuilt; emitter-appended) ---
"""Pipeline reference for scband-hyb-gnn-44427141710208 (READ-ONLY COPY).

The authoritative reference and input builder live on the scoring server;
editing this copy changes nothing except your own understanding.
"""

import jax, jax.numpy as jnp
import numpy as np

N = 15
EMBED_DIM = 128
F1 = 128
F2 = 64
E = 210


def _lin_init(k, out_d, in_d):
    s = 1.0 / np.sqrt(in_d)
    kw, kb = jax.random.split(k)
    W = jax.random.uniform(kw, (out_d, in_d), jnp.float32, -s, s)
    b = jax.random.uniform(kb, (out_d,), jnp.float32, -s, s)
    return W, b


def setup_inputs(seed: int = 0) -> dict:
    key = jax.random.key(seed)
    ks = jax.random.split(key, 12)
    features_1 = jax.random.normal(ks[0], (N,), jnp.float32)
    edge_index_1 = jax.random.randint(ks[1], (2, E), 0, N, dtype=jnp.int32)
    target = jax.random.uniform(ks[2], (3,), jnp.float32)
    W_e1, b_e1 = _lin_init(ks[3], 15 * 32, 15)
    W_e2, b_e2 = _lin_init(ks[4], 15 * 128, 15 * 32)
    W_e3, b_e3 = _lin_init(ks[5], 15 * EMBED_DIM, 15 * 128)
    W_c1, b_c1 = _lin_init(ks[6], F1, EMBED_DIM)
    W_c2, b_c2 = _lin_init(ks[7], F2, F1)
    W_att = jax.random.normal(ks[8], (F2, F2), jnp.float32) * 0.1
    W_fc, b_fc = _lin_init(ks[9], 3, F2)
    return {
        'features_1': features_1, 'edge_index_1': edge_index_1, 'target': target,
        'W_e1': W_e1, 'b_e1': b_e1, 'W_e2': W_e2, 'b_e2': b_e2, 'W_e3': W_e3, 'b_e3': b_e3,
        'W_c1': W_c1, 'b_c1': b_c1, 'W_c2': W_c2, 'b_c2': b_c2,
        'W_att': W_att, 'W_fc': W_fc, 'b_fc': b_fc,
    }


def _gcn_conv(h, s, d, W, b):
    # PyG GCNConv: x' = D^{-1/2} (A + I) D^{-1/2} X W + b (self-loops already in s, d)
    h = h @ W.T
    deg = jnp.zeros((N,), h.dtype).at[d].add(1.0)
    dis = jnp.where(deg > 0, 1.0 / jnp.sqrt(deg), 0.0)
    norm = dis[s] * dis[d]
    msgs = h[s] * norm[:, None]
    out = jnp.zeros_like(h).at[d].add(msgs)
    return out + b


def reference(features_1, edge_index_1, target, W_e1, b_e1, W_e2, b_e2, W_e3, b_e3,
              W_c1, b_c1, W_c2, b_c2, W_att, W_fc, b_fc):
    # embed_layers
    x = jax.nn.relu(features_1 @ W_e1.T + b_e1)
    x = jax.nn.relu(x @ W_e2.T + b_e2)
    x = x @ W_e3.T + b_e3
    x = x.reshape(N, -1)
    # add self loops
    loop = jnp.arange(N, dtype=edge_index_1.dtype)
    s = jnp.concatenate([edge_index_1[0], loop])
    d = jnp.concatenate([edge_index_1[1], loop])
    x = jax.nn.relu(_gcn_conv(x, s, d, W_c1, b_c1))
    x = _gcn_conv(x, s, d, W_c2, b_c2)
    # SimGNN-style attention module
    global_context = jnp.mean(x @ W_att, axis=0)
    transformed_global = jnp.tanh(global_context)
    sigmoid_scores = jax.nn.sigmoid(x @ transformed_global[:, None])  # [N, 1]
    representation = (x.T @ sigmoid_scores).squeeze(1)  # [F2]
    logits = representation @ W_fc.T + b_fc  # [3]
    label = jnp.argmax(target, axis=0)
    loss = -jax.nn.log_softmax(logits)[label]
    predictions = jax.nn.softmax(logits, axis=0)
    return (loss, predictions)

if __name__ == "__main__":
    import jax
    _d = setup_inputs()
    print(jax.jit(kernel)(*tuple(_d.values())))

</pallas_src>

<mosaic_0001>
#map = affine_map<(d0, d1) -> (0)>
#map1 = affine_map<(d0, d1) -> (0, 0)>
module attributes {stable_mosaic.version = 14 : i64} {
  func.func @_sc_gemv(%arg0: i32, %arg1: i32, %arg2: memref<1920xf32, #tpu.memory_space<hbm>>, %arg3: memref<1920x1920xf32, #tpu.memory_space<hbm>>, %arg4: memref<1920xf32, #tpu.memory_space<hbm>>, %arg5: memref<1024xf32, #tpu.memory_space<hbm>>, %arg6: memref<1920xf32, #tpu.memory_space<vmem>>, %arg7: memref<32x1920xf32, #tpu.memory_space<vmem>>, %arg8: memref<32xf32, #tpu.memory_space<vmem>>, %arg9: memref<32xf32, #tpu.memory_space<vmem>>, %arg10: memref<16x16xf32, #tpu.memory_space<vmem>>) attributes {dimension_semantics = [#tpu.dimension_semantics<core_parallel>, #tpu.dimension_semantics<subcore_parallel>], iteration_bounds = array<i64: 2, 16>, scalar_prefetch = 0 : i64, scratch_operands = 5 : i64, tpu.core_type = #tpu.core_type<sc_vector_subcore>, window_params = [{transform_indices = #map}, {transform_indices = #map1}, {transform_indices = #map}, {transform_indices = #map}]} {
    %mul3A = arith.constant 2 : i32
    %mul3A_0 = arith.muli %arg1, %mul3A : i32
    %add3A = arith.addi %mul3A_0, %arg0 : i32
    %mul3A_1 = arith.constant 32 : i32
    %mul3A_2 = arith.muli %add3A, %mul3A_1 : i32
    %add3A_3 = arith.constant 896 : i32
    %add3A_4 = arith.addi %add3A_3, %mul3A_2 : i32
    "tpu.region"() ({
      %run_scoped3A = tpu.sem_alloc : memref<!tpu.dma_semaphore, #tpu.memory_space<semaphore_mem>>
      tpu.enqueue_dma source(%arg2 : memref<1920xf32, #tpu.memory_space<hbm>>) target(%arg6 : memref<1920xf32, #tpu.memory_space<vmem>>) target_semaphore(%run_scoped3A : memref<!tpu.dma_semaphore, #tpu.memory_space<semaphore_mem>>)
      tpu.wait_dma2 semaphore(%run_scoped3A : memref<!tpu.dma_semaphore, #tpu.memory_space<semaphore_mem>>) src(%arg2 : memref<1920xf32, #tpu.memory_space<hbm>>) dst(%arg6 : memref<1920xf32, #tpu.memory_space<vmem>>)
      tpu.yield
    }) : () -> ()
    "tpu.region"() ({
      %run_scoped3A = tpu.sem_alloc : memref<!tpu.dma_semaphore, #tpu.memory_space<semaphore_mem>>
      %dma_start3A = arith.constant 0 : i32
      %dma_start3A_12 = tpu.memref_slice %arg3[%add3A_4, %dma_start3A] : memref<1920x1920xf32, #tpu.memory_space<hbm>> -> memref<32x1920xf32, #tpu.memory_space<hbm>>
      %dma_start3A_13 = arith.constant 0 : i32
      %dma_start3A_14 = tpu.memref_slice %arg3[%add3A_4, %dma_start3A_13] : memref<1920x1920xf32, #tpu.memory_space<hbm>> -> memref<32x1920xf32, #tpu.memory_space<hbm>>
      tpu.enqueue_dma source(%dma_start3A_14 : memref<32x1920xf32, #tpu.memory_space<hbm>>) target(%arg7 : memref<32x1920xf32, #tpu.memory_space<vmem>>) target_semaphore(%run_scoped3A : memref<!tpu.dma_semaphore, #tpu.memory_space<semaphore_mem>>)
      %dma_wait3A = arith.constant 0 : i32
      %dma_wait3A_15 = tpu.memref_slice %arg3[%add3A_4, %dma_wait3A] : memref<1920x1920xf32, #tpu.memory_space<hbm>> -> memref<32x1920xf32, #tpu.memory_space<hbm>>
      %dma_wait3A_16 = arith.constant 0 : i32
      %dma_wait3A_17 = tpu.memref_slice %arg3[%add3A_4, %dma_wait3A_16] : memref<1920x1920xf32, #tpu.memory_space<hbm>> -> memref<32x1920xf32, #tpu.memory_space<hbm>>
      tpu.wait_dma2 semaphore(%run_scoped3A : memref<!tpu.dma_semaphore, #tpu.memory_space<semaphore_mem>>) src(%dma_wait3A_17 : memref<32x1920xf32, #tpu.memory_space<hbm>>) dst(%arg7 : memref<32x1920xf32, #tpu.memory_space<vmem>>)
      tpu.yield
    }) : () -> ()
    "tpu.region"() ({
      %run_scoped3A = tpu.sem_alloc : memref<!tpu.dma_semaphore, #tpu.memory_space<semaphore_mem>>
      %dma_start3A = tpu.memref_slice %arg4[%add3A_4] : memref<1920xf32, #tpu.memory_space<hbm>> -> memref<32xf32, #tpu.memory_space<hbm>>
      %dma_start3A_12 = tpu.memref_slice %arg4[%add3A_4] : memref<1920xf32, #tpu.memory_space<hbm>> -> memref<32xf32, #tpu.memory_space<hbm>>
      tpu.enqueue_dma source(%dma_start3A_12 : memref<32xf32, #tpu.memory_space<hbm>>) target(%arg8 : memref<32xf32, #tpu.memory_space<vmem>>) target_semaphore(%run_scoped3A : memref<!tpu.dma_semaphore, #tpu.memory_space<semaphore_mem>>)
      %dma_wait3A = tpu.memref_slice %arg4[%add3A_4] : memref<1920xf32, #tpu.memory_space<hbm>> -> memref<32xf32, #tpu.memory_space<hbm>>
      %dma_wait3A_13 = tpu.memref_slice %arg4[%add3A_4] : memref<1920xf32, #tpu.memory_space<hbm>> -> memref<32xf32, #tpu.memory_space<hbm>>
      tpu.wait_dma2 semaphore(%run_scoped3A : memref<!tpu.dma_semaphore, #tpu.memory_space<semaphore_mem>>) src(%dma_wait3A_13 : memref<32xf32, #tpu.memory_space<hbm>>) dst(%arg8 : memref<32xf32, #tpu.memory_space<vmem>>)
      tpu.yield
    }) : () -> ()
    %iota3A = tpu.iota {dimensions = array<i32: 0>} : vector<16xi32>
    %scan3A = arith.constant 0 : i32
    %scan3A_5 = arith.constant 0 : i32
    %scan3A_6 = arith.constant 2 : i32
    %scan3A_7 = arith.addi %scan3A_5, %scan3A_6 : i32
    %scan3A_8 = arith.constant 1 : i32
    scf.for %scan3A_12 = %scan3A_5 to %scan3A_7 step %scan3A_8  : i32 {
      %mul3A_13 = arith.constant 16 : i32
      %mul3A_14 = arith.muli %scan3A_12, %mul3A_13 : i32
      %broadcast_in_dim3A = arith.constant 0.000000e+00 : f32
      %broadcast_in_dim3A_15 = vector.broadcast %broadcast_in_dim3A : f32 to vector<16xf32>
      %broadcast_in_dim3A_16 = arith.constant 0.000000e+00 : f32
      %broadcast_in_dim3A_17 = vector.broadcast %broadcast_in_dim3A_16 : f32 to vector<16xf32>
      %broadcast_in_dim3A_18 = arith.constant 0.000000e+00 : f32
      %broadcast_in_dim3A_19 = vector.broadcast %broadcast_in_dim3A_18 : f32 to vector<16xf32>
      %broadcast_in_dim3A_20 = arith.constant 0.000000e+00 : f32
      %broadcast_in_dim3A_21 = vector.broadcast %broadcast_in_dim3A_20 : f32 to vector<16xf32>
      %broadcast_in_dim3A_22 = arith.constant 0.000000e+00 : f32
      %broadcast_in_dim3A_23 = vector.broadcast %broadcast_in_dim3A_22 : f32 to vector<16xf32>
      %broadcast_in_dim3A_24 = arith.constant 0.000000e+00 : f32
      %broadcast_in_dim3A_25 = vector.broadcast %broadcast_in_dim3A_24 : f32 to vector<16xf32>
      %broadcast_in_dim3A_26 = arith.constant 0.000000e+00 : f32
      %broadcast_in_dim3A_27 = vector.broadcast %broadcast_in_dim3A_26 : f32 to vector<16xf32>
      %broadcast_in_dim3A_28 = arith.constant 0.000000e+00 : f32
      %broadcast_in_dim3A_29 = vector.broadcast %broadcast_in_dim3A_28 : f32 to vector<16xf32>
      %broadcast_in_dim3A_30 = arith.constant 0.000000e+00 : f32
      %broadcast_in_dim3A_31 = vector.broadcast %broadcast_in_dim3A_30 : f32 to vector<16xf32>
      %broadcast_in_dim3A_32 = arith.constant 0.000000e+00 : f32
      %broadcast_in_dim3A_33 = vector.broadcast %broadcast_in_dim3A_32 : f32 to vector<16xf32>
      %broadcast_in_dim3A_34 = arith.constant 0.000000e+00 : f32
      %broadcast_in_dim3A_35 = vector.broadcast %broadcast_in_dim3A_34 : f32 to vector<16xf32>
      %broadcast_in_dim3A_36 = arith.constant 0.000000e+00 : f32
      %broadcast_in_dim3A_37 = vector.broadcast %broadcast_in_dim3A_36 : f32 to vector<16xf32>
      %broadcast_in_dim3A_38 = arith.constant 0.000000e+00 : f32
      %broadcast_in_dim3A_39 = vector.broadcast %broadcast_in_dim3A_38 : f32 to vector<16xf32>
      %broadcast_in_dim3A_40 = arith.constant 0.000000e+00 : f32
      %broadcast_in_dim3A_41 = vector.broadcast %broadcast_in_dim3A_40 : f32 to vector<16xf32>
      %broadcast_in_dim3A_42 = arith.constant 0.000000e+00 : f32
      %broadcast_in_dim3A_43 = vector.broadcast %broadcast_in_dim3A_42 : f32 to vector<16xf32>
      %broadcast_in_dim3A_44 = arith.constant 0.000000e+00 : f32
      %broadcast_in_dim3A_45 = vector.broadcast %broadcast_in_dim3A_44 : f32 to vector<16xf32>
      %scan3A_46 = arith.constant 0 : i32
      %scan3A_47 = arith.constant 120 : i32
      %scan3A_48 = arith.addi %scan3A_46, %scan3A_47 : i32
      %scan3A_49 = arith.constant 1 : i32
      %scan3A_50:16 = scf.for %scan3A_1015 = %scan3A_46 to %scan3A_48 step %scan3A_49 iter_args(%scan3A_1016 = %broadcast_in_dim3A_15, %scan3A_1017 = %broadcast_in_dim3A_17, %scan3A_1018 = %broadcast_in_dim3A_19, %scan3A_1019 = %broadcast_in_dim3A_21, %scan3A_1020 = %broadcast_in_dim3A_23, %scan3A_1021 = %broadcast_in_dim3A_25, %scan3A_1022 = %broadcast_in_dim3A_27, %scan3A_1023 = %broadcast_in_dim3A_29, %scan3A_1024 = %broadcast_in_dim3A_31, %scan3A_1025 = %broadcast_in_dim3A_33, %scan3A_1026 = %broadcast_in_dim3A_35, %scan3A_1027 = %broadcast_in_dim3A_37, %scan3A_1028 = %broadcast_in_dim3A_39, %scan3A_1029 = %broadcast_in_dim3A_41, %scan3A_1030 = %broadcast_in_dim3A_43, %scan3A_1031 = %broadcast_in_dim3A_45) -> (vector<16xf32>, vector<16xf32>, vector<16xf32>, vector<16xf32>, vector<16xf32>, vector<16xf32>, vector<16xf32>, vector<16xf32>, vector<16xf32>, vector<16xf32>, vector<16xf32>, vector<16xf32>, vector<16xf32>, vector<16xf32>, vector<16xf32>, vector<16xf32>)  : i32 {
        %mul3A_1032 = arith.constant 16 : i32
        %mul3A_1033 = arith.muli %scan3A_1015, %mul3A_1032 : i32
        %get3A_1034 = arith.index_cast %mul3A_1033 : i32 to index
        %get3A_1035 = tpu.vector_load %arg6[%get3A_1034] {strides = array<i32>} : memref<1920xf32, #tpu.memory_space<vmem>>, vector<16xf32>,
        %get3A_1036 = vector.shape_cast %get3A_1035 : vector<16xf32> to vector<16xf32>
        %add3A_1037 = arith.constant 0 : i32
        %add3A_1038 = arith.addi %mul3A_14, %add3A_1037 : i32
        %mul3A_1039 = arith.constant 16 : i32
        %mul3A_1040 = arith.muli %scan3A_1015, %mul3A_1039 : i32
        %get3A_1041 = arith.index_cast %add3A_1038 : i32 to index
        %get3A_1042 = arith.index_cast %mul3A_1040 : i32 to index
        %get3A_1043 = tpu.vector_load %arg7[%get3A_1041, %get3A_1042] {strides = array<i32>} : memref<32x1920xf32, #tpu.memory_space<vmem>>, vector<1x16xf32>,
        %get3A_1044 = vector.shape_cast %get3A_1043 : vector<1x16xf32> to vector<16xf32>
        %mul3A_1045 = arith.mulf %get3A_1044, %get3A_1036 : vector<16xf32>
        %add3A_1046 = arith.addf %scan3A_1016, %mul3A_1045 : vector<16xf32>
        %add3A_1047 = arith.constant 1 : i32
        %add3A_1048 = arith.addi %mul3A_14, %add3A_1047 : i32
        %mul3A_1049 = arith.constant 16 : i32
        %mul3A_1050 = arith.muli %scan3A_1015, %mul3A_1049 : i32
        %get3A_1051 = arith.index_cast %add3A_1048 : i32 to index
        %get3A_1052 = arith.index_cast %mul3A_1050 : i32 to index
        %get3A_1053 = tpu.vector_load %arg7[%get3A_1051, %get3A_1052] {strides = array<i32>} : memref<32x1920xf32, #tpu.memory_space<vmem>>, vector<1x16xf32>,
        %get3A_1054 = vector.shape_cast %get3A_1053 : vector<1x16xf32> to vector<16xf32>
        %mul3A_1055 = arith.mulf %get3A_1054, %get3A_1036 : vector<16xf32>
        %add3A_1056 = arith.addf %scan3A_1017, %mul3A_1055 : vector<16xf32>
        %add3A_1057 = arith.constant 2 : i32
        %add3A_1058 = arith.addi %mul3A_14, %add3A_1057 : i32
        %mul3A_1059 = arith.constant 16 : i32
        %mul3A_1060 = arith.muli %scan3A_1015, %mul3A_1059 : i32
        %get3A_1061 = arith.index_cast %add3A_1058 : i32 to index
        %get3A_1062 = arith.index_cast %mul3A_1060 : i32 to index
        %get3A_1063 = tpu.vector_load %arg7[%get3A_1061, %get3A_1062] {strides = array<i32>} : memref<32x1920xf32, #tpu.memory_space<vmem>>, vector<1x16xf32>,
        %get3A_1064 = vector.shape_cast %get3A_1063 : vector<1x16xf32> to vector<16xf32>
        %mul3A_1065 = arith.mulf %get3A_1064, %get3A_1036 : vector<16xf32>
        %add3A_1066 = arith.addf %scan3A_1018, %mul3A_1065 : vector<16xf32>
        %add3A_1067 = arith.constant 3 : i32
        %add3A_1068 = arith.addi %mul3A_14, %add3A_1067 : i32
        %mul3A_1069 = arith.constant 16 : i32
        %mul3A_1070 = arith.muli %scan3A_1015, %mul3A_1069 : i32
        %get3A_1071 = arith.index_cast %add3A_1068 : i32 to index
        %get3A_1072 = arith.index_cast %mul3A_1070 : i32 to index
        %get3A_1073 = tpu.vector_load %arg7[%get3A_1071, %get3A_1072] {strides = array<i32>} : memref<32x1920xf32, #tpu.memory_space<vmem>>, vector<1x16xf32>,
        %get3A_1074 = vector.shape_cast %get3A_1073 : vector<1x16xf32> to vector<16xf32>
        %mul3A_1075 = arith.mulf %get3A_1074, %get3A_1036 : vector<16xf32>
        %add3A_1076 = arith.addf %scan3A_1019, %mul3A_1075 : vector<16xf32>
        %add3A_1077 = arith.constant 4 : i32
        %add3A_1078 = arith.addi %mul3A_14, %add3A_1077 : i32
        %mul3A_1079 = arith.constant 16 : i32
        %mul3A_1080 = arith.muli %scan3A_1015, %mul3A_1079 : i32
        %get3A_1081 = arith.index_cast %add3A_1078 : i32 to index
        %get3A_1082 = arith.index_cast %mul3A_1080 : i32 to index
        %get3A_1083 = tpu.vector_load %arg7[%get3A_1081, %get3A_1082] {strides = array<i32>} : memref<32x1920xf32, #tpu.memory_space<vmem>>, vector<1x16xf32>,
        %get3A_1084 = vector.shape_cast %get3A_1083 : vector<1x16xf32> to vector<16xf32>
        %mul3A_1085 = arith.mulf %get3A_1084, %get3A_1036 : vector<16xf32>
        %add3A_1086 = arith.addf %scan3A_1020, %mul3A_1085 : vector<16xf32>
        %add3A_1087 = arith.constant 5 : i32
        %add3A_1088 = arith.addi %mul3A_14, %add3A_1087 : i32
        %mul3A_1089 = arith.constant 16 : i32
        %mul3A_1090 = arith.muli %scan3A_1015, %mul3A_1089 : i32
        %get3A_1091 = arith.index_cast %add3A_1088 : i32 to index
        %get3A_1092 = arith.index_cast %mul3A_1090 : i32 to index
        %get3A_1093 = tpu.vector_load %arg7[%get3A_1091, %get3A_1092] {strides = array<i32>} : memref<32x1920xf32, #tpu.memory_space<vmem>>, vector<1x16xf32>,
        %get3A_1094 = vector.shape_cast %get3A_1093 : vector<1x16xf32> to vector<16xf32>
        %mul3A_1095 = arith.mulf %get3A_1094, %get3A_1036 : vector<16xf32>
        %add3A_1096 = arith.addf %scan3A_1021, %mul3A_1095 : vector<16xf32>
        %add3A_1097 = arith.constant 6 : i32
        %add3A_1098 = arith.addi %mul3A_14, %add3A_1097 : i32
        %mul3A_1099 = arith.constant 16 : i32
        %mul3A_1100 = arith.muli %scan3A_1015, %mul3A_1099 : i32
        %get3A_1101 = arith.index_cast %add3A_1098 : i32 to index
        %get3A_1102 = arith.index_cast %mul3A_1100 : i32 to index
        %get3A_1103 = tpu.vector_load %arg7[%get3A_1101, %get3A_1102] {strides = array<i32>} : memref<32x1920xf32, #tpu.memory_space<vmem>>, vector<1x16xf32>,
        %get3A_1104 = vector.shape_cast %get3A_1103 : vector<1x16xf32> to vector<16xf32>
        %mul3A_1105 = arith.mulf %get3A_1104, %get3A_1036 : vector<16xf32>
        %add3A_1106 = arith.addf %scan3A_1022, %mul3A_1105 : vector<16xf32>
        %add3A_1107 = arith.constant 7 : i32
        %add3A_1108 = arith.addi %mul3A_14, %add3A_1107 : i32
        %mul3A_1109 = arith.constant 16 : i32
        %mul3A_1110 = arith.muli %scan3A_1015, %mul3A_1109 : i32
        %get3A_1111 = arith.index_cast %add3A_1108 : i32 to index
        %get3A_1112 = arith.index_cast %mul3A_1110 : i32 to index
        %get3A_1113 = tpu.vector_load %arg7[%get3A_1111, %get3A_1112] {strides = array<i32>} : memref<32x1920xf32, #tpu.memory_space<vmem>>, vector<1x16xf32>,
        %get3A_1114 = vector.shape_cast %get3A_1113 : vector<1x16xf32> to vector<16xf32>
        %mul3A_1115 = arith.mulf %get3A_1114, %get3A_1036 : vector<16xf32>
        %add3A_1116 = arith.addf %scan3A_1023, %mul3A_1115 : vector<16xf32>
        %add3A_1117 = arith.constant 8 : i32
        %add3A_1118 = arith.addi %mul3A_14, %add3A_1117 : i32
        %mul3A_1119 = arith.constant 16 : i32
        %mul3A_1120 = arith.muli %scan3A_1015, %mul3A_1119 : i32
        %get3A_1121 = arith.index_cast %add3A_1118 : i32 to index
        %get3A_1122 = arith.index_cast %mul3A_1120 : i32 to index
        %get3A_1123 = tpu.vector_load %arg7[%get3A_1121, %get3A_1122] {strides = array<i32>} : memref<32x1920xf32, #tpu.memory_space<vmem>>, vector<1x16xf32>,
        %get3A_1124 = vector.shape_cast %get3A_1123 : vector<1x16xf32> to vector<16xf32>
        %mul3A_1125 = arith.mulf %get3A_1124, %get3A_1036 : vector<16xf32>
        %add3A_1126 = arith.addf %scan3A_1024, %mul3A_1125 : vector<16xf32>
        %add3A_1127 = arith.constant 9 : i32
        %add3A_1128 = arith.addi %mul3A_14, %add3A_1127 : i32
        %mul3A_1129 = arith.constant 16 : i32
        %mul3A_1130 = arith.muli %scan3A_1015, %mul3A_1129 : i32
        %get3A_1131 = arith.index_cast %add3A_1128 : i32 to index
        %get3A_1132 = arith.index_cast %mul3A_1130 : i32 to index
        %get3A_1133 = tpu.vector_load %arg7[%get3A_1131, %get3A_1132] {strides = array<i32>} : memref<32x1920xf32, #tpu.memory_space<vmem>>, vector<1x16xf32>,
        %get3A_1134 = vector.shape_cast %get3A_1133 : vector<1x16xf32> to vector<16xf32>
        %mul3A_1135 = arith.mulf %get3A_1134, %get3A_1036 : vector<16xf32>
        %add3A_1136 = arith.addf %scan3A_1025, %mul3A_1135 : vector<16xf32>
        %add3A_1137 = arith.constant 10 : i32
        %add3A_1138 = arith.addi %mul3A_14, %add3A_1137 : i32
        %mul3A_1139 = arith.constant 16 : i32
        %mul3A_1140 = arith.muli %scan3A_1015, %mul3A_1139 : i32
        %get3A_1141 = arith.index_cast %add3A_1138 : i32 to index
        %get3A_1142 = arith.index_cast %mul3A_1140 : i32 to index
        %get3A_1143 = tpu.vector_load %arg7[%get3A_1141, %get3A_1142] {strides = array<i32>} : memref<32x1920xf32, #tpu.memory_space<vmem>>, vector<1x16xf32>,
        %get3A_1144 = vector.shape_cast %get3A_1143 : vector<1x16xf32> to vector<16xf32>
        %mul3A_1145 = arith.mulf %get3A_1144, %get3A_1036 : vector<16xf32>
        %add3A_1146 = arith.addf %scan3A_1026, %mul3A_1145 : vector<16xf32>
        %add3A_1147 = arith.constant 11 : i32
        %add3A_1148 = arith.addi %mul3A_14, %add3A_1147 : i32
        %mul3A_1149 = arith.constant 16 : i32
        %mul3A_1150 = arith.muli %scan3A_1015, %mul3A_1149 : i32
        %get3A_1151 = arith.index_cast %add3A_1148 : i32 to index
        %get3A_1152 = arith.index_cast %mul3A_1150 : i32 to index
        %get3A_1153 = tpu.vector_load %arg7[%get3A_1151, %get3A_1152] {strides = array<i32>} : memref<32x1920xf32, #tpu.memory_space<vmem>>, vector<1x16xf32>,
        %get3A_1154 = vector.shape_cast %get3A_1153 : vector<1x16xf32> to vector<16xf32>
        %mul3A_1155 = arith.mulf %get3A_1154, %get3A_1036 : vector<16xf32>
        %add3A_1156 = arith.addf %scan3A_1027, %mul3A_1155 : vector<16xf32>
        %add3A_1157 = arith.constant 12 : i32
        %add3A_1158 = arith.addi %mul3A_14, %add3A_1157 : i32
        %mul3A_1159 = arith.constant 16 : i32
        %mul3A_1160 = arith.muli %scan3A_1015, %mul3A_1159 : i32
        %get3A_1161 = arith.index_cast %add3A_1158 : i32 to index
        %get3A_1162 = arith.index_cast %mul3A_1160 : i32 to index
        %get3A_1163 = tpu.vector_load %arg7[%get3A_1161, %get3A_1162] {strides = array<i32>} : memref<32x1920xf32, #tpu.memory_space<vmem>>, vector<1x16xf32>,
        %get3A_1164 = vector.shape_cast %get3A_1163 : vector<1x16xf32> to vector<16xf32>
        %mul3A_1165 = arith.mulf %get3A_1164, %get3A_1036 : vector<16xf32>
        %add3A_1166 = arith.addf %scan3A_1028, %mul3A_1165 : vector<16xf32>
        %add3A_1167 = arith.constant 13 : i32
        %add3A_1168 = arith.addi %mul3A_14, %add3A_1167 : i32
        %mul3A_1169 = arith.constant 16 : i32
        %mul3A_1170 = arith.muli %scan3A_1015, %mul3A_1169 : i32
        %get3A_1171 = arith.index_cast %add3A_1168 : i32 to index
        %get3A_1172 = arith.index_cast %mul3A_1170 : i32 to index
        %get3A_1173 = tpu.vector_load %arg7[%get3A_1171, %get3A_1172] {strides = array<i32>} : memref<32x1920xf32, #tpu.memory_space<vmem>>, vector<1x16xf32>,
        %get3A_1174 = vector.shape_cast %get3A_1173 : vector<1x16xf32> to vector<16xf32>
        %mul3A_1175 = arith.mulf %get3A_1174, %get3A_1036 : vector<16xf32>
        %add3A_1176 = arith.addf %scan3A_1029, %mul3A_1175 : vector<16xf32>
        %add3A_1177 = arith.constant 14 : i32
        %add3A_1178 = arith.addi %mul3A_14, %add3A_1177 : i32
        %mul3A_1179 = arith.constant 16 : i32
        %mul3A_1180 = arith.muli %scan3A_1015, %mul3A_1179 : i32
        %get3A_1181 = arith.index_cast %add3A_1178 : i32 to index
        %get3A_1182 = arith.index_cast %mul3A_1180 : i32 to index
        %get3A_1183 = tpu.vector_load %arg7[%get3A_1181, %get3A_1182] {strides = array<i32>} : memref<32x1920xf32, #tpu.memory_space<vmem>>, vector<1x16xf32>,
        %get3A_1184 = vector.shape_cast %get3A_1183 : vector<1x16xf32> to vector<16xf32>
        %mul3A_1185 = arith.mulf %get3A_1184, %get3A_1036 : vector<16xf32>
        %add3A_1186 = arith.addf %scan3A_1030, %mul3A_1185 : vector<16xf32>
        %add3A_1187 = arith.constant 15 : i32
        %add3A_1188 = arith.addi %mul3A_14, %add3A_1187 : i32
        %mul3A_1189 = arith.constant 16 : i32
        %mul3A_1190 = arith.muli %scan3A_1015, %mul3A_1189 : i32
        %get3A_1191 = arith.index_cast %add3A_1188 : i32 to index
        %get3A_1192 = arith.index_cast %mul3A_1190 : i32 to index
        %get3A_1193 = tpu.vector_load %arg7[%get3A_1191, %get3A_1192] {strides = array<i32>} : memref<32x1920xf32, #tpu.memory_space<vmem>>, vector<1x16xf32>,
        %get3A_1194 = vector.shape_cast %get3A_1193 : vector<1x16xf32> to vector<16xf32>
        %mul3A_1195 = arith.mulf %get3A_1194, %get3A_1036 : vector<16xf32>
        %add3A_1196 = arith.addf %scan3A_1031, %mul3A_1195 : vector<16xf32>
        scf.yield %add3A_1046, %add3A_1056, %add3A_1066, %add3A_1076, %add3A_1086, %add3A_1096, %add3A_1106, %add3A_1116, %add3A_1126, %add3A_1136, %add3A_1146, %add3A_1156, %add3A_1166, %add3A_1176, %add3A_1186, %add3A_1196 : vector<16xf32>, vector<16xf32>, vector<16xf32>, vector<16xf32>, vector<16xf32>, vector<16xf32>, vector<16xf32>, vector<16xf32>, vector<16xf32>, vector<16xf32>, vector<16xf32>, vector<16xf32>, vector<16xf32>, vector<16xf32>, vector<16xf32>, vector<16xf32>
      }
      %scan3A_51 = arith.constant 120 : i32
      %broadcast_in_dim3A_52 = arith.constant 0.000000e+00 : f32
      %broadcast_in_dim3A_53 = vector.broadcast %broadcast_in_dim3A_52 : f32 to vector<16xf32>
      %xor3A = arith.constant 1 : i32
      %xor3A_54 = vector.broadcast %xor3A : i32 to vector<16xi32>
      %xor3A_55 = arith.xori %iota3A, %xor3A_54 : vector<16xi32>
      %lt3A = arith.constant 0 : i32
      %lt3A_56 = vector.broadcast %lt3A : i32 to vector<16xi32>
      %lt3A_57 = arith.cmpi slt, %xor3A_55, %lt3A_56 : vector<16xi32>
      %add3A_58 = arith.constant 16 : i32
      %add3A_59 = vector.broadcast %add3A_58 : i32 to vector<16xi32>
      %add3A_60 = arith.addi %xor3A_55, %add3A_59 : vector<16xi32>
      %select_n3A = arith.select %lt3A_57, %add3A_60, %xor3A_55 : vector<16xi1>, vector<16xi32>
      %broadcast_in_dim3A_61 = vector.shape_cast %select_n3A : vector<16xi32> to vector<16x1xi32>
      %gather3A = vector.shape_cast %broadcast_in_dim3A_61 : vector<16x1xi32> to vector<16xi32>
      %gather3A_62 = tpu.dynamic_gather %scan3A_50#0[%gather3A] in [0] : vector<16xf32>, vector<16xi32> -> vector<16xf32>
      %add3A_63 = arith.addf %scan3A_50#0, %gather3A_62 : vector<16xf32>
      %xor3A_64 = arith.constant 2 : i32
      %xor3A_65 = vector.broadcast %xor3A_64 : i32 to vector<16xi32>
      %xor3A_66 = arith.xori %iota3A, %xor3A_65 : vector<16xi32>
      %lt3A_67 = arith.constant 0 : i32
      %lt3A_68 = vector.broadcast %lt3A_67 : i32 to vector<16xi32>
      %lt3A_69 = arith.cmpi slt, %xor3A_66, %lt3A_68 : vector<16xi32>
      %add3A_70 = arith.constant 16 : i32
      %add3A_71 = vector.broadcast %add3A_70 : i32 to vector<16xi32>
      %add3A_72 = arith.addi %xor3A_66, %add3A_71 : vector<16xi32>
      %select_n3A_73 = arith.select %lt3A_69, %add3A_72, %xor3A_66 : vector<16xi1>, vector<16xi32>
      %broadcast_in_dim3A_74 = vector.shape_cast %select_n3A_73 : vector<16xi32> to vector<16x1xi32>
      %gather3A_75 = vector.shape_cast %broadcast_in_dim3A_74 : vector<16x1xi32> to vector<16xi32>
      %gather3A_76 = tpu.dynamic_gather %add3A_63[%gather3A_75] in [0] : vector<16xf32>, vector<16xi32> -> vector<16xf32>
      %add3A_77 = arith.addf %add3A_63, %gather3A_76 : vector<16xf32>
      %xor3A_78 = arith.constant 4 : i32
      %xor3A_79 = vector.broadcast %xor3A_78 : i32 to vector<16xi32>
      %xor3A_80 = arith.xori %iota3A, %xor3A_79 : vector<16xi32>
      %lt3A_81 = arith.constant 0 : i32
      %lt3A_82 = vector.broadcast %lt3A_81 : i32 to vector<16xi32>
      %lt3A_83 = arith.cmpi slt, %xor3A_80, %lt3A_82 : vector<16xi32>
      %add3A_84 = arith.constant 16 : i32
      %add3A_85 = vector.broadcast %add3A_84 : i32 to vector<16xi32>
      %add3A_86 = arith.addi %xor3A_80, %add3A_85 : vector<16xi32>
      %select_n3A_87 = arith.select %lt3A_83, %add3A_86, %xor3A_80 : vector<16xi1>, vector<16xi32>
      %broadcast_in_dim3A_88 = vector.shape_cast %select_n3A_87 : vector<16xi32> to vector<16x1xi32>
      %gather3A_89 = vector.shape_cast %broadcast_in_dim3A_88 : vector<16x1xi32> to vector<16xi32>
      %gather3A_90 = tpu.dynamic_gather %add3A_77[%gather3A_89] in [0] : vector<16xf32>, vector<16xi32> -> vector<16xf32>
      %add3A_91 = arith.addf %add3A_77, %gather3A_90 : vector<16xf32>
      %xor3A_92 = arith.constant 8 : i32
      %xor3A_93 = vector.broadcast %xor3A_92 : i32 to vector<16xi32>
      %xor3A_94 = arith.xori %iota3A, %xor3A_93 : vector<16xi32>
      %lt3A_95 = arith.constant 0 : i32
      %lt3A_96 = vector.broadcast %lt3A_95 : i32 to vector<16xi32>
      %lt3A_97 = arith.cmpi slt, %xor3A_94, %lt3A_96 : vector<16xi32>
      %add3A_98 = arith.constant 16 : i32
      %add3A_99 = vector.broadcast %add3A_98 : i32 to vector<16xi32>
      %add3A_100 = arith.addi %xor3A_94, %add3A_99 : vector<16xi32>
      %select_n3A_101 = arith.select %lt3A_97, %add3A_100, %xor3A_94 : vector<16xi1>, vector<16xi32>
      %broadcast_in_dim3A_102 = vector.shape_cast %select_n3A_101 : vector<16xi32> to vector<16x1xi32>
      %gather3A_103 = vector.shape_cast %broadcast_in_dim3A_102 : vector<16x1xi32> to vector<16xi32>
      %gather3A_104 = tpu.dynamic_gather %add3A_91[%gather3A_103] in [0] : vector<16xf32>, vector<16xi32> -> vector<16xf32>
      %add3A_105 = arith.addf %add3A_91, %gather3A_104 : vector<16xf32>
      %eq3A = arith.constant 0 : i32
      %eq3A_106 = vector.broadcast %eq3A : i32 to vector<16xi32>
      %eq3A_107 = arith.cmpi eq, %iota3A, %eq3A_106 : vector<16xi32>
      %select_n3A_108 = arith.select %eq3A_107, %add3A_105, %broadcast_in_dim3A_53 : vector<16xi1>, vector<16xf32>
      %xor3A_109 = arith.constant 1 : i32
      %xor3A_110 = vector.broadcast %xor3A_109 : i32 to vector<16xi32>
      %xor3A_111 = arith.xori %iota3A, %xor3A_110 : vector<16xi32>
      %lt3A_112 = arith.constant 0 : i32
      %lt3A_113 = vector.broadcast %lt3A_112 : i32 to vector<16xi32>
      %lt3A_114 = arith.cmpi slt, %xor3A_111, %lt3A_113 : vector<16xi32>
      %add3A_115 = arith.constant 16 : i32
      %add3A_116 = vector.broadcast %add3A_115 : i32 to vector<16xi32>
      %add3A_117 = arith.addi %xor3A_111, %add3A_116 : vector<16xi32>
      %select_n3A_118 = arith.select %lt3A_114, %add3A_117, %xor3A_111 : vector<16xi1>, vector<16xi32>
      %broadcast_in_dim3A_119 = vector.shape_cast %select_n3A_118 : vector<16xi32> to vector<16x1xi32>
      %gather3A_120 = vector.shape_cast %broadcast_in_dim3A_119 : vector<16x1xi32> to vector<16xi32>
      %gather3A_121 = tpu.dynamic_gather %scan3A_50#1[%gather3A_120] in [0] : vector<16xf32>, vector<16xi32> -> vector<16xf32>
      %add3A_122 = arith.addf %scan3A_50#1, %gather3A_121 : vector<16xf32>
      %xor3A_123 = arith.constant 2 : i32
      %xor3A_124 = vector.broadcast %xor3A_123 : i32 to vector<16xi32>
      %xor3A_125 = arith.xori %iota3A, %xor3A_124 : vector<16xi32>
      %lt3A_126 = arith.constant 0 : i32
      %lt3A_127 = vector.broadcast %lt3A_126 : i32 to vector<16xi32>
      %lt3A_128 = arith.cmpi slt, %xor3A_125, %lt3A_127 : vector<16xi32>
      %add3A_129 = arith.constant 16 : i32
      %add3A_130 = vector.broadcast %add3A_129 : i32 to vector<16xi32>
      %add3A_131 = arith.addi %xor3A_125, %add3A_130 : vector<16xi32>
      %select_n3A_132 = arith.select %lt3A_128, %add3A_131, %xor3A_125 : vector<16xi1>, vector<16xi32>
      %broadcast_in_dim3A_133 = vector.shape_cast %select_n3A_132 : vector<16xi32> to vector<16x1xi32>
      %gather3A_134 = vector.shape_cast %broadcast_in_dim3A_133 : vector<16x1xi32> to vector<16xi32>
      %gather3A_135 = tpu.dynamic_gather %add3A_122[%gather3A_134] in [0] : vector<16xf32>, vector<16xi32> -> vector<16xf32>
      %add3A_136 = arith.addf %add3A_122, %gather3A_135 : vector<16xf32>
      %xor3A_137 = arith.constant 4 : i32
      %xor3A_138 = vector.broadcast %xor3A_137 : i32 to vector<16xi32>
      %xor3A_139 = arith.xori %iota3A, %xor3A_138 : vector<16xi32>
      %lt3A_140 = arith.constant 0 : i32
      %lt3A_141 = vector.broadcast %lt3A_140 : i32 to vector<16xi32>
      %lt3A_142 = arith.cmpi slt, %xor3A_139, %lt3A_141 : vector<16xi32>
      %add3A_143 = arith.constant 16 : i32
      %add3A_144 = vector.broadcast %add3A_143 : i32 to vector<16xi32>
      %add3A_145 = arith.addi %xor3A_139, %add3A_144 : vector<16xi32>
      %select_n3A_146 = arith.select %lt3A_142, %add3A_145, %xor3A_139 : vector<16xi1>, vector<16xi32>
      %broadcast_in_dim3A_147 = vector.shape_cast %select_n3A_146 : vector<16xi32> to vector<16x1xi32>
      %gather3A_148 = vector.shape_cast %broadcast_in_dim3A_147 : vector<16x1xi32> to vector<16xi32>
      %gather3A_149 = tpu.dynamic_gather %add3A_136[%gather3A_148] in [0] : vector<16xf32>, vector<16xi32> -> vector<16xf32>
      %add3A_150 = arith.addf %add3A_136, %gather3A_149 : vector<16xf32>
      %xor3A_151 = arith.constant 8 : i32
      %xor3A_152 = vector.broadcast %xor3A_151 : i32 to vector<16xi32>
      %xor3A_153 = arith.xori %iota3A, %xor3A_152 : vector<16xi32>
      %lt3A_154 = arith.constant 0 : i32
      %lt3A_155 = vector.broadcast %lt3A_154 : i32 to vector<16xi32>
      %lt3A_156 = arith.cmpi slt, %xor3A_153, %lt3A_155 : vector<16xi32>
      %add3A_157 = arith.constant 16 : i32
      %add3A_158 = vector.broadcast %add3A_157 : i32 to vector<16xi32>
      %add3A_159 = arith.addi %xor3A_153, %add3A_158 : vector<16xi32>
      %select_n3A_160 = arith.select %lt3A_156, %add3A_159, %xor3A_153 : vector<16xi1>, vector<16xi32>
      %broadcast_in_dim3A_161 = vector.shape_cast %select_n3A_160 : vector<16xi32> to vector<16x1xi32>
      %gather3A_162 = vector.shape_cast %broadcast_in_dim3A_161 : vector<16x1xi32> to vector<16xi32>
      %gather3A_163 = tpu.dynamic_gather %add3A_150[%gather3A_162] in [0] : vector<16xf32>, vector<16xi32> -> vector<16xf32>
      %add3A_164 = arith.addf %add3A_150, %gather3A_163 : vector<16xf32>
      %eq3A_165 = arith.constant 1 : i32
      %eq3A_166 = vector.broadcast %eq3A_165 : i32 to vector<16xi32>
      %eq3A_167 = arith.cmpi eq, %iota3A, %eq3A_166 : vector<16xi32>
      %select_n3A_168 = arith.select %eq3A_167, %add3A_164, %select_n3A_108 : vector<16xi1>, vector<16xf32>
      %xor3A_169 = arith.constant 1 : i32
      %xor3A_170 = vector.broadcast %xor3A_169 : i32 to vector<16xi32>
      %xor3A_171 = arith.xori %iota3A, %xor3A_170 : vector<16xi32>
      %lt3A_172 = arith.constant 0 : i32
      %lt3A_173 = vector.broadcast %lt3A_172 : i32 to vector<16xi32>
      %lt3A_174 = arith.cmpi slt, %xor3A_171, %lt3A_173 : vector<16xi32>
      %add3A_175 = arith.constant 16 : i32
      %add3A_176 = vector.broadcast %add3A_175 : i32 to vector<16xi32>
      %add3A_177 = arith.addi %xor3A_171, %add3A_176 : vector<16xi32>
      %select_n3A_178 = arith.select %lt3A_174, %add3A_177, %xor3A_171 : vector<16xi1>, vector<16xi32>
      %broadcast_in_dim3A_179 = vector.shape_cast %select_n3A_178 : vector<16xi32> to vector<16x1xi32>
      %gather3A_180 = vector.shape_cast %broadcast_in_dim3A_179 : vector<16x1xi32> to vector<16xi32>
      %gather3A_181 = tpu.dynamic_gather %scan3A_50#2[%gather3A_180] in [0] : vector<16xf32>, vector<16xi32> -> vector<16xf32>
      %add3A_182 = arith.addf %scan3A_50#2, %gather3A_181 : vector<16xf32>
      %xor3A_183 = arith.constant 2 : i32
      %xor3A_184 = vector.broadcast %xor3A_183 : i32 to vector<16xi32>
      %xor3A_185 = arith.xori %iota3A, %xor3A_184 : vector<16xi32>
      %lt3A_186 = arith.constant 0 : i32
      %lt3A_187 = vector.broadcast %lt3A_186 : i32 to vector<16xi32>
      %lt3A_188 = arith.cmpi slt, %xor3A_185, %lt3A_187 : vector<16xi32>
      %add3A_189 = arith.constant 16 : i32
      %add3A_190 = vector.broadcast %add3A_189 : i32 to vector<16xi32>
      %add3A_191 = arith.addi %xor3A_185, %add3A_190 : vector<16xi32>
      %select_n3A_192 = arith.select %lt3A_188, %add3A_191, %xor3A_185 : vector<16xi1>, vector<16xi32>
      %broadcast_in_dim3A_193 = vector.shape_cast %select_n3A_192 : vector<16xi32> to vector<16x1xi32>
      %gather3A_194 = vector.shape_cast %broadcast_in_dim3A_193 : vector<16x1xi32> to vector<16xi32>
      %gather3A_195 = tpu.dynamic_gather %add3A_182[%gather3A_194] in [0] : vector<16xf32>, vector<16xi32> -> vector<16xf32>
      %add3A_196 = arith.addf %add3A_182, %gather3A_195 : vector<16xf32>
      %xor3A_197 = arith.constant 4 : i32
      %xor3A_198 = vector.broadcast %xor3A_197 : i32 to vector<16xi32>
      %xor3A_199 = arith.xori %iota3A, %xor3A_198 : vector<16xi32>
      %lt3A_200 = arith.constant 0 : i32
      %lt3A_201 = vector.broadcast %lt3A_200 : i32 to vector<16xi32>
      %lt3A_202 = arith.cmpi slt, %xor3A_199, %lt3A_201 : vector<16xi32>
      %add3A_203 = arith.constant 16 : i32
      %add3A_204 = vector.broadcast %add3A_203 : i32 to vector<16xi32>
      %add3A_205 = arith.addi %xor3A_199, %add3A_204 : vector<16xi32>
      %select_n3A_206 = arith.select %lt3A_202, %add3A_205, %xor3A_199 : vector<16xi1>, vector<16xi32>
      %broadcast_in_dim3A_207 = vector.shape_cast %select_n3A_206 : vector<16xi32> to vector<16x1xi32>
      %gather3A_208 = vector.shape_cast %broadcast_in_dim3A_207 : vector<16x1xi32> to vector<16xi32>
      %gather3A_209 = tpu.dynamic_gather %add3A_196[%gather3A_208] in [0] : vector<16xf32>, vector<16xi32> -> vector<16xf32>
      %add3A_210 = arith.addf %add3A_196, %gather3A_209 : vector<16xf32>
      %xor3A_211 = arith.constant 8 : i32
      %xor3A_212 = vector.broadcast %xor3A_211 : i32 to vector<16xi32>
      %xor3A_213 = arith.xori %iota3A, %xor3A_212 : vector<16xi32>
      %lt3A_214 = arith.constant 0 : i32
      %lt3A_215 = vector.broadcast %lt3A_214 : i32 to vector<16xi32>
      %lt3A_216 = arith.cmpi slt, %xor3A_213, %lt3A_215 : vector<16xi32>
      %add3A_217 = arith.constant 16 : i32
      %add3A_218 = vector.broadcast %add3A_217 : i32 to vector<16xi32>
      %add3A_219 = arith.addi %xor3A_213, %add3A_218 : vector<16xi32>
      %select_n3A_220 = arith.select %lt3A_216, %add3A_219, %xor3A_213 : vector<16xi1>, vector<16xi32>
      %broadcast_in_dim3A_221 = vector.shape_cast %select_n3A_220 : vector<16xi32> to vector<16x1xi32>
      %gather3A_222 = vector.shape_cast %broadcast_in_dim3A_221 : vector<16x1xi32> to vector<16xi32>
      %gather3A_223 = tpu.dynamic_gather %add3A_210[%gather3A_222] in [0] : vector<16xf32>, vector<16xi32> -> vector<16xf32>
      %add3A_224 = arith.addf %add3A_210, %gather3A_223 : vector<16xf32>
      %eq3A_225 = arith.constant 2 : i32
      %eq3A_226 = vector.broadcast %eq3A_225 : i32 to vector<16xi32>
      %eq3A_227 = arith.cmpi eq, %iota3A, %eq3A_226 : vector<16xi32>
      %select_n3A_228 = arith.select %eq3A_227, %add3A_224, %select_n3A_168 : vector<16xi1>, vector<16xf32>
      %xor3A_229 = arith.constant 1 : i32
      %xor3A_230 = vector.broadcast %xor3A_229 : i32 to vector<16xi32>
      %xor3A_231 = arith.xori %iota3A, %xor3A_230 : vector<16xi32>
      %lt3A_232 = arith.constant 0 : i32
      %lt3A_233 = vector.broadcast %lt3A_232 : i32 to vector<16xi32>
      %lt3A_234 = arith.cmpi slt, %xor3A_231, %lt3A_233 : vector<16xi32>
      %add3A_235 = arith.constant 16 : i32
      %add3A_236 = vector.broadcast %add3A_235 : i32 to vector<16xi32>
      %add3A_237 = arith.addi %xor3A_231, %add3A_236 : vector<16xi32>
      %select_n3A_238 = arith.select %lt3A_234, %add3A_237, %xor3A_231 : vector<16xi1>, vector<16xi32>
      %broadcast_in_dim3A_239 = vector.shape_cast %select_n3A_238 : vector<16xi32> to vector<16x1xi32>
      %gather3A_240 = vector.shape_cast %broadcast_in_dim3A_239 : vector<16x1xi32> to vector<16xi32>
      %gather3A_241 = tpu.dynamic_gather %scan3A_50#3[%gather3A_240] in [0] : vector<16xf32>, vector<16xi32> -> vector<16xf32>
      %add3A_242 = arith.addf %scan3A_50#3, %gather3A_241 : vector<16xf32>
      %xor3A_243 = arith.constant 2 : i32
      %xor3A_244 = vector.broadcast %xor3A_243 : i32 to vector<16xi32>
      %xor3A_245 = arith.xori %iota3A, %xor3A_244 : vector<16xi32>
      %lt3A_246 = arith.constant 0 : i32
      %lt3A_247 = vector.broadcast %lt3A_246 : i32 to vector<16xi32>
      %lt3A_248 = arith.cmpi slt, %xor3A_245, %lt3A_247 : vector<16xi32>
      %add3A_249 = arith.constant 16 : i32
      %add3A_250 = vector.broadcast %add3A_249 : i32 to vector<16xi32>
      %add3A_251 = arith.addi %xor3A_245, %add3A_250 : vector<16xi32>
      %select_n3A_252 = arith.select %lt3A_248, %add3A_251, %xor3A_245 : vector<16xi1>, vector<16xi32>
      %broadcast_in_dim3A_253 = vector.shape_cast %select_n3A_252 : vector<16xi32> to vector<16x1xi32>
      %gather3A_254 = vector.shape_cast %broadcast_in_dim3A_253 : vector<16x1xi32> to vector<16xi32>
      %gather3A_255 = tpu.dynamic_gather %add3A_242[%gather3A_254] in [0] : vector<16xf32>, vector<16xi32> -> vector<16xf32>
      %add3A_256 = arith.addf %add3A_242, %gather3A_255 : vector<16xf32>
      %xor3A_257 = arith.constant 4 : i32
      %xor3A_258 = vector.broadcast %xor3A_257 : i32 to vector<16xi32>
      %xor3A_259 = arith.xori %iota3A, %xor3A_258 : vector<16xi32>
      %lt3A_260 = arith.constant 0 : i32
      %lt3A_261 = vector.broadcast %lt3A_260 : i32 to vector<16xi32>
      %lt3A_262 = arith.cmpi slt, %xor3A_259, %lt3A_261 : vector<16xi32>
      %add3A_263 = arith.constant 16 : i32
      %add3A_264 = vector.broadcast %add3A_263 : i32 to vector<16xi32>
      %add3A_265 = arith.addi %xor3A_259, %add3A_264 : vector<16xi32>
      %select_n3A_266 = arith.select %lt3A_262, %add3A_265, %xor3A_259 : vector<16xi1>, vector<16xi32>
      %broadcast_in_dim3A_267 = vector.shape_cast %select_n3A_266 : vector<16xi32> to vector<16x1xi32>
      %gather3A_268 = vector.shape_cast %broadcast_in_dim3A_267 : vector<16x1xi32> to vector<16xi32>
      %gather3A_269 = tpu.dynamic_gather %add3A_256[%gather3A_268] in [0] : vector<16xf32>, vector<16xi32> -> vector<16xf32>
      %add3A_270 = arith.addf %add3A_256, %gather3A_269 : vector<16xf32>
      %xor3A_271 = arith.constant 8 : i32
      %xor3A_272 = vector.broadcast %xor3A_271 : i32 to vector<16xi32>
      %xor3A_273 = arith.xori %iota3A, %xor3A_272 : vector<16xi32>
      %lt3A_274 = arith.constant 0 : i32
      %lt3A_275 = vector.broadcast %lt3A_274 : i32 to vector<16xi32>
      %lt3A_276 = arith.cmpi slt, %xor3A_273, %lt3A_275 : vector<16xi32>
      %add3A_277 = arith.constant 16 : i32
      %add3A_278 = vector.broadcast %add3A_277 : i32 to vector<16xi32>
      %add3A_279 = arith.addi %xor3A_273, %add3A_278 : vector<16xi32>
      %select_n3A_280 = arith.select %lt3A_276, %add3A_279, %xor3A_273 : vector<16xi1>, vector<16xi32>
      %broadcast_in_dim3A_281 = vector.shape_cast %select_n3A_280 : vector<16xi32> to vector<16x1xi32>
      %gather3A_282 = vector.shape_cast %broadcast_in_dim3A_281 : vector<16x1xi32> to vector<16xi32>
      %gather3A_283 = tpu.dynamic_gather %add3A_270[%gather3A_282] in [0] : vector<16xf32>, vector<16xi32> -> vector<16xf32>
      %add3A_284 = arith.addf %add3A_270, %gather3A_283 : vector<16xf32>
      %eq3A_285 = arith.constant 3 : i32
      %eq3A_286 = vector.broadcast %eq3A_285 : i32 to vector<16xi32>
      %eq3A_287 = arith.cmpi eq, %iota3A, %eq3A_286 : vector<16xi32>
      %select_n3A_288 = arith.select %eq3A_287, %add3A_284, %select_n3A_228 : vector<16xi1>, vector<16xf32>
      %xor3A_289 = arith.constant 1 : i32
      %xor3A_290 = vector.broadcast %xor3A_289 : i32 to vector<16xi32>
      %xor3A_291 = arith.xori %iota3A, %xor3A_290 : vector<16xi32>
      %lt3A_292 = arith.constant 0 : i32
      %lt3A_293 = vector.broadcast %lt3A_292 : i32 to vector<16xi32>
      %lt3A_294 = arith.cmpi slt, %xor3A_291, %lt3A_293 : vector<16xi32>
      %add3A_295 = arith.constant 16 : i32
      %add3A_296 = vector.broadcast %add3A_295 : i32 to vector<16xi32>
      %add3A_297 = arith.addi %xor3A_291, %add3A_296 : vector<16xi32>
      %select_n3A_298 = arith.select %lt3A_294, %add3A_297, %xor3A_291 : vector<16xi1>, vector<16xi32>
      %broadcast_in_dim3A_299 = vector.shape_cast %select_n3A_298 : vector<16xi32> to vector<16x1xi32>
      %gather3A_300 = vector.shape_cast %broadcast_in_dim3A_299 : vector<16x1xi32> to vector<16xi32>
      %gather3A_301 = tpu.dynamic_gather %scan3A_50#4[%gather3A_300] in [0] : vector<16xf32>, vector<16xi32> -> vector<16xf32>
      %add3A_302 = arith.addf %scan3A_50#4, %gather3A_301 : vector<16xf32>
      %xor3A_303 = arith.constant 2 : i32
      %xor3A_304 = vector.broadcast %xor3A_303 : i32 to vector<16xi32>
      %xor3A_305 = arith.xori %iota3A, %xor3A_304 : vector<16xi32>
      %lt3A_306 = arith.constant 0 : i32
      %lt3A_307 = vector.broadcast %lt3A_306 : i32 to vector<16xi32>
      %lt3A_308 = arith.cmpi slt, %xor3A_305, %lt3A_307 : vector<16xi32>
      %add3A_309 = arith.constant 16 : i32
      %add3A_310 = vector.broadcast %add3A_309 : i32 to vector<16xi32>
      %add3A_311 = arith.addi %xor3A_305, %add3A_310 : vector<16xi32>
      %select_n3A_312 = arith.select %lt3A_308, %add3A_311, %xor3A_305 : vector<16xi1>, vector<16xi32>
      %broadcast_in_dim3A_313 = vector.shape_cast %select_n3A_312 : vector<16xi32> to vector<16x1xi32>
      %gather3A_314 = vector.shape_cast %broadcast_in_dim3A_313 : vector<16x1xi32> to vector<16xi32>
      %gather3A_315 = tpu.dynamic_gather %add3A_302[%gather3A_314] in [0] : vector<16xf32>, vector<16xi32> -> vector<16xf32>
      %add3A_316 = arith.addf %add3A_302, %gather3A_315 : vector<16xf32>
      %xor3A_317 = arith.constant 4 : i32
      %xor3A_318 = vector.broadcast %xor3A_317 : i32 to vector<16xi32>
      %xor3A_319 = arith.xori %iota3A, %xor3A_318 : vector<16xi32>
      %lt3A_320 = arith.constant 0 : i32
      %lt3A_321 = vector.broadcast %lt3A_320 : i32 to vector<16xi32>
      %lt3A_322 = arith.cmpi slt, %xor3A_319, %lt3A_321 : vector<16xi32>
      %add3A_323 = arith.constant 16 : i32
      %add3A_324 = vector.broadcast %add3A_323 : i32 to vector<16xi32>
      %add3A_325 = arith.addi %xor3A_319, %add3A_324 : vector<16xi32>
      %select_n3A_326 = arith.select %lt3A_322, %add3A_325, %xor3A_319 : vector<16xi1>, vector<16xi32>
      %broadcast_in_dim3A_327 = vector.shape_cast %select_n3A_326 : vector<16xi32> to vector<16x1xi32>
      %gather3A_328 = vector.shape_cast %broadcast_in_dim3A_327 : vector<16x1xi32> to vector<16xi32>
      %gather3A_329 = tpu.dynamic_gather %add3A_316[%gather3A_328] in [0] : vector<16xf32>, vector<16xi32> -> vector<16xf32>
      %add3A_330 = arith.addf %add3A_316, %gather3A_329 : vector<16xf32>
      %xor3A_331 = arith.constant 8 : i32
      %xor3A_332 = vector.broadcast %xor3A_331 : i32 to vector<16xi32>
      %xor3A_333 = arith.xori %iota3A, %xor3A_332 : vector<16xi32>
      %lt3A_334 = arith.constant 0 : i32
      %lt3A_335 = vector.broadcast %lt3A_334 : i32 to vector<16xi32>
      %lt3A_336 = arith.cmpi slt, %xor3A_333, %lt3A_335 : vector<16xi32>
      %add3A_337 = arith.constant 16 : i32
      %add3A_338 = vector.broadcast %add3A_337 : i32 to vector<16xi32>
      %add3A_339 = arith.addi %xor3A_333, %add3A_338 : vector<16xi32>
      %select_n3A_340 = arith.select %lt3A_336, %add3A_339, %xor3A_333 : vector<16xi1>, vector<16xi32>
      %broadcast_in_dim3A_341 = vector.shape_cast %select_n3A_340 : vector<16xi32> to vector<16x1xi32>
      %gather3A_342 = vector.shape_cast %broadcast_in_dim3A_341 : vector<16x1xi32> to vector<16xi32>
      %gather3A_343 = tpu.dynamic_gather %add3A_330[%gather3A_342] in [0] : vector<16xf32>, vector<16xi32> -> vector<16xf32>
      %add3A_344 = arith.addf %add3A_330, %gather3A_343 : vector<16xf32>
      %eq3A_345 = arith.constant 4 : i32
      %eq3A_346 = vector.broadcast %eq3A_345 : i32 to vector<16xi32>
      %eq3A_347 = arith.cmpi eq, %iota3A, %eq3A_346 : vector<16xi32>
      %select_n3A_348 = arith.select %eq3A_347, %add3A_344, %select_n3A_288 : vector<16xi1>, vector<16xf32>
      %xor3A_349 = arith.constant 1 : i32
      %xor3A_350 = vector.broadcast %xor3A_349 : i32 to vector<16xi32>
      %xor3A_351 = arith.xori %iota3A, %xor3A_350 : vector<16xi32>
      %lt3A_352 = arith.constant 0 : i32
      %lt3A_353 = vector.broadcast %lt3A_352 : i32 to vector<16xi32>
      %lt3A_354 = arith.cmpi slt, %xor3A_351, %lt3A_353 : vector<16xi32>
      %add3A_355 = arith.constant 16 : i32
      %add3A_356 = vector.broadcast %add3A_355 : i32 to vector<16xi32>
      %add3A_357 = arith.addi %xor3A_351, %add3A_356 : vector<16xi32>
      %select_n3A_358 = arith.select %lt3A_354, %add3A_357, %xor3A_351 : vector<16xi1>, vector<16xi32>
      %broadcast_in_dim3A_359 = vector.shape_cast %select_n3A_358 : vector<16xi32> to vector<16x1xi32>
      %gather3A_360 = vector.shape_cast %broadcast_in_dim3A_359 : vector<16x1xi32> to vector<16xi32>
      %gather3A_361 = tpu.dynamic_gather %scan3A_50#5[%gather3A_360] in [0] : vector<16xf32>, vector<16xi32> -> vector<16xf32>
      %add3A_362 = arith.addf %scan3A_50#5, %gather3A_361 : vector<16xf32>
      %xor3A_363 = arith.constant 2 : i32
      %xor3A_364 = vector.broadcast %xor3A_363 : i32 to vector<16xi32>
      %xor3A_365 = arith.xori %iota3A, %xor3A_364 : vector<16xi32>
      %lt3A_366 = arith.constant 0 : i32
      %lt3A_367 = vector.broadcast %lt3A_366 : i32 to vector<16xi32>
      %lt3A_368 = arith.cmpi slt, %xor3A_365, %lt3A_367 : vector<16xi32>
      %add3A_369 = arith.constant 16 : i32
      %add3A_370 = vector.broadcast %add3A_369 : i32 to vector<16xi32>
      %add3A_371 = arith.addi %xor3A_365, %add3A_370 : vector<16xi32>
      %select_n3A_372 = arith.select %lt3A_368, %add3A_371, %xor3A_365 : vector<16xi1>, vector<16xi32>
      %broadcast_in_dim3A_373 = vector.shape_cast %select_n3A_372 : vector<16xi32> to vector<16x1xi32>
      %gather3A_374 = vector.shape_cast %broadcast_in_dim3A_373 : vector<16x1xi32> to vector<16xi32>
      %gather3A_375 = tpu.dynamic_gather %add3A_362[%gather3A_374] in [0] : vector<16xf32>, vector<16xi32> -> vector<16xf32>
      %add3A_376 = arith.addf %add3A_362, %gather3A_375 : vector<16xf32>
      %xor3A_377 = arith.constant 4 : i32
      %xor3A_378 = vector.broadcast %xor3A_377 : i32 to vector<16xi32>
      %xor3A_379 = arith.xori %iota3A, %xor3A_378 : vector<16xi32>
      %lt3A_380 = arith.constant 0 : i32
      %lt3A_381 = vector.broadcast %lt3A_380 : i32 to vector<16xi32>
      %lt3A_382 = arith.cmpi slt, %xor3A_379, %lt3A_381 : vector<16xi32>
      %add3A_383 = arith.constant 16 : i32
      %add3A_384 = vector.broadcast %add3A_383 : i32 to vector<16xi32>
      %add3A_385 = arith.addi %xor3A_379, %add3A_384 : vector<16xi32>
      %select_n3A_386 = arith.select %lt3A_382, %add3A_385, %xor3A_379 : vector<16xi1>, vector<16xi32>
      %broadcast_in_dim3A_387 = vector.shape_cast %select_n3A_386 : vector<16xi32> to vector<16x1xi32>
      %gather3A_388 = vector.shape_cast %broadcast_in_dim3A_387 : vector<16x1xi32> to vector<16xi32>
      %gather3A_389 = tpu.dynamic_gather %add3A_376[%gather3A_388] in [0] : vector<16xf32>, vector<16xi32> -> vector<16xf32>
      %add3A_390 = arith.addf %add3A_376, %gather3A_389 : vector<16xf32>
      %xor3A_391 = arith.constant 8 : i32
      %xor3A_392 = vector.broadcast %xor3A_391 : i32 to vector<16xi32>
      %xor3A_393 = arith.xori %iota3A, %xor3A_392 : vector<16xi32>
      %lt3A_394 = arith.constant 0 : i32
      %lt3A_395 = vector.broadcast %lt3A_394 : i32 to vector<16xi32>
      %lt3A_396 = arith.cmpi slt, %xor3A_393, %lt3A_395 : vector<16xi32>
      %add3A_397 = arith.constant 16 : i32
      %add3A_398 = vector.broadcast %add3A_397 : i32 to vector<16xi32>
      %add3A_399 = arith.addi %xor3A_393, %add3A_398 : vector<16xi32>
      %select_n3A_400 = arith.select %lt3A_396, %add3A_399, %xor3A_393 : vector<16xi1>, vector<16xi32>
      %broadcast_in_dim3A_401 = vector.shape_cast %select_n3A_400 : vector<16xi32> to vector<16x1xi32>
      %gather3A_402 = vector.shape_cast %broadcast_in_dim3A_401 : vector<16x1xi32> to vector<16xi32>
      %gather3A_403 = tpu.dynamic_gather %add3A_390[%gather3A_402] in [0] : vector<16xf32>, vector<16xi32> -> vector<16xf32>
      %add3A_404 = arith.addf %add3A_390, %gather3A_403 : vector<16xf32>
      %eq3A_405 = arith.constant 5 : i32
      %eq3A_406 = vector.broadcast %eq3A_405 : i32 to vector<16xi32>
      %eq3A_407 = arith.cmpi eq, %iota3A, %eq3A_406 : vector<16xi32>
      %select_n3A_408 = arith.select %eq3A_407, %add3A_404, %select_n3A_348 : vector<16xi1>, vector<16xf32>
      %xor3A_409 = arith.constant 1 : i32
      %xor3A_410 = vector.broadcast %xor3A_409 : i32 to vector<16xi32>
      %xor3A_411 = arith.xori %iota3A, %xor3A_410 : vector<16xi32>
      %lt3A_412 = arith.constant 0 : i32
      %lt3A_413 = vector.broadcast %lt3A_412 : i32 to vector<16xi32>
      %lt3A_414 = arith.cmpi slt, %xor3A_411, %lt3A_413 : vector<16xi32>
      %add3A_415 = arith.constant 16 : i32
      %add3A_416 = vector.broadcast %add3A_415 : i32 to vector<16xi32>
      %add3A_417 = arith.addi %xor3A_411, %add3A_416 : vector<16xi32>
      %select_n3A_418 = arith.select %lt3A_414, %add3A_417, %xor3A_411 : vector<16xi1>, vector<16xi32>
      %broadcast_in_dim3A_419 = vector.shape_cast %select_n3A_418 : vector<16xi32> to vector<16x1xi32>
      %gather3A_420 = vector.shape_cast %broadcast_in_dim3A_419 : vector<16x1xi32> to vector<16xi32>
      %gather3A_421 = tpu.dynamic_gather %scan3A_50#6[%gather3A_420] in [0] : vector<16xf32>, vector<16xi32> -> vector<16xf32>
      %add3A_422 = arith.addf %scan3A_50#6, %gather3A_421 : vector<16xf32>
      %xor3A_423 = arith.constant 2 : i32
      %xor3A_424 = vector.broadcast %xor3A_423 : i32 to vector<16xi32>
      %xor3A_425 = arith.xori %iota3A, %xor3A_424 : vector<16xi32>
      %lt3A_426 = arith.constant 0 : i32
      %lt3A_427 = vector.broadcast %lt3A_426 : i32 to vector<16xi32>
      %lt3A_428 = arith.cmpi slt, %xor3A_425, %lt3A_427 : vector<16xi32>
      %add3A_429 = arith.constant 16 : i32
      %add3A_430 = vector.broadcast %add3A_429 : i32 to vector<16xi32>
      %add3A_431 = arith.addi %xor3A_425, %add3A_430 : vector<16xi32>
      %select_n3A_432 = arith.select %lt3A_428, %add3A_431, %xor3A_425 : vector<16xi1>, vector<16xi32>
      %broadcast_in_dim3A_433 = vector.shape_cast %select_n3A_432 : vector<16xi32> to vector<16x1xi32>
      %gather3A_434 = vector.shape_cast %broadcast_in_dim3A_433 : vector<16x1xi32> to vector<16xi32>
      %gather3A_435 = tpu.dynamic_gather %add3A_422[%gather3A_434] in [0] : vector<16xf32>, vector<16xi32> -> vector<16xf32>
      %add3A_436 = arith.addf %add3A_422, %gather3A_435 : vector<16xf32>
      %xor3A_437 = arith.constant 4 : i32
      %xor3A_438 = vector.broadcast %xor3A_437 : i32 to vector<16xi32>
      %xor3A_439 = arith.xori %iota3A, %xor3A_438 : vector<16xi32>
      %lt3A_440 = arith.constant 0 : i32
      %lt3A_441 = vector.broadcast %lt3A_440 : i32 to vector<16xi32>
      %lt3A_442 = arith.cmpi slt, %xor3A_439, %lt3A_441 : vector<16xi32>
      %add3A_443 = arith.constant 16 : i32
      %add3A_444 = vector.broadcast %add3A_443 : i32 to vector<16xi32>
      %add3A_445 = arith.addi %xor3A_439, %add3A_444 : vector<16xi32>
      %select_n3A_446 = arith.select %lt3A_442, %add3A_445, %xor3A_439 : vector<16xi1>, vector<16xi32>
      %broadcast_in_dim3A_447 = vector.shape_cast %select_n3A_446 : vector<16xi32> to vector<16x1xi32>
      %gather3A_448 = vector.shape_cast %broadcast_in_dim3A_447 : vector<16x1xi32> to vector<16xi32>
      %gather3A_449 = tpu.dynamic_gather %add3A_436[%gather3A_448] in [0] : vector<16xf32>, vector<16xi32> -> vector<16xf32>
      %add3A_450 = arith.addf %add3A_436, %gather3A_449 : vector<16xf32>
      %xor3A_451 = arith.constant 8 : i32
      %xor3A_452 = vector.broadcast %xor3A_451 : i32 to vector<16xi32>
      %xor3A_453 = arith.xori %iota3A, %xor3A_452 : vector<16xi32>
      %lt3A_454 = arith.constant 0 : i32
      %lt3A_455 = vector.broadcast %lt3A_454 : i32 to vector<16xi32>
      %lt3A_456 = arith.cmpi slt, %xor3A_453, %lt3A_455 : vector<16xi32>
      %add3A_457 = arith.constant 16 : i32
      %add3A_458 = vector.broadcast %add3A_457 : i32 to vector<16xi32>
      %add3A_459 = arith.addi %xor3A_453, %add3A_458 : vector<16xi32>
      %select_n3A_460 = arith.select %lt3A_456, %add3A_459, %xor3A_453 : vector<16xi1>, vector<16xi32>
      %broadcast_in_dim3A_461 = vector.shape_cast %select_n3A_460 : vector<16xi32> to vector<16x1xi32>
      %gather3A_462 = vector.shape_cast %broadcast_in_dim3A_461 : vector<16x1xi32> to vector<16xi32>
      %gather3A_463 = tpu.dynamic_gather %add3A_450[%gather3A_462] in [0] : vector<16xf32>, vector<16xi32> -> vector<16xf32>
      %add3A_464 = arith.addf %add3A_450, %gather3A_463 : vector<16xf32>
      %eq3A_465 = arith.constant 6 : i32
      %eq3A_466 = vector.broadcast %eq3A_465 : i32 to vector<16xi32>
      %eq3A_467 = arith.cmpi eq, %iota3A, %eq3A_466 : vector<16xi32>
      %select_n3A_468 = arith.select %eq3A_467, %add3A_464, %select_n3A_408 : vector<16xi1>, vector<16xf32>
      %xor3A_469 = arith.constant 1 : i32
      %xor3A_470 = vector.broadcast %xor3A_469 : i32 to vector<16xi32>
      %xor3A_471 = arith.xori %iota3A, %xor3A_470 : vector<16xi32>
      %lt3A_472 = arith.constant 0 : i32
      %lt3A_473 = vector.broadcast %lt3A_472 : i32 to vector<16xi32>
      %lt3A_474 = arith.cmpi slt, %xor3A_471, %lt3A_473 : vector<16xi32>
      %add3A_475 = arith.constant 16 : i32
      %add3A_476 = vector.broadcast %add3A_475 : i32 to vector<16xi32>
      %add3A_477 = arith.addi %xor3A_471, %add3A_476 : vector<16xi32>
      %select_n3A_478 = arith.select %lt3A_474, %add3A_477, %xor3A_471 : vector<16xi1>, vector<16xi32>
      %broadcast_in_dim3A_479 = vector.shape_cast %select_n3A_478 : vector<16xi32> to vector<16x1xi32>
      %gather3A_480 = vector.shape_cast %broadcast_in_dim3A_479 : vector<16x1xi32> to vector<16xi32>
      %gather3A_481 = tpu.dynamic_gather %scan3A_50#7[%gather3A_480] in [0] : vector<16xf32>, vector<16xi32> -> vector<16xf32>
      %add3A_482 = arith.addf %scan3A_50#7, %gather3A_481 : vector<16xf32>
      %xor3A_483 = arith.constant 2 : i32
      %xor3A_484 = vector.broadcast %xor3A_483 : i32 to vector<16xi32>
      %xor3A_485 = arith.xori %iota3A, %xor3A_484 : vector<16xi32>
      %lt3A_486 = arith.constant 0 : i32
      %lt3A_487 = vector.broadcast %lt3A_486 : i32 to vector<16xi32>
      %lt3A_488 = arith.cmpi slt, %xor3A_485, %lt3A_487 : vector<16xi32>
      %add3A_489 = arith.constant 16 : i32
      %add3A_490 = vector.broadcast %add3A_489 : i32 to vector<16xi32>
      %add3A_491 = arith.addi %xor3A_485, %add3A_490 : vector<16xi32>
      %select_n3A_492 = arith.select %lt3A_488, %add3A_491, %xor3A_485 : vector<16xi1>, vector<16xi32>
      %broadcast_in_dim3A_493 = vector.shape_cast %select_n3A_492 : vector<16xi32> to vector<16x1xi32>
      %gather3A_494 = vector.shape_cast %broadcast_in_dim3A_493 : vector<16x1xi32> to vector<16xi32>
      %gather3A_495 = tpu.dynamic_gather %add3A_482[%gather3A_494] in [0] : vector<16xf32>, vector<16xi32> -> vector<16xf32>
      %add3A_496 = arith.addf %add3A_482, %gather3A_495 : vector<16xf32>
      %xor3A_497 = arith.constant 4 : i32
      %xor3A_498 = vector.broadcast %xor3A_497 : i32 to vector<16xi32>
      %xor3A_499 = arith.xori %iota3A, %xor3A_498 : vector<16xi32>
      %lt3A_500 = arith.constant 0 : i32
      %lt3A_501 = vector.broadcast %lt3A_500 : i32 to vector<16xi32>
      %lt3A_502 = arith.cmpi slt, %xor3A_499, %lt3A_501 : vector<16xi32>
      %add3A_503 = arith.constant 16 : i32
      %add3A_504 = vector.broadcast %add3A_503 : i32 to vector<16xi32>
      %add3A_505 = arith.addi %xor3A_499, %add3A_504 : vector<16xi32>
      %select_n3A_506 = arith.select %lt3A_502, %add3A_505, %xor3A_499 : vector<16xi1>, vector<16xi32>
      %broadcast_in_dim3A_507 = vector.shape_cast %select_n3A_506 : vector<16xi32> to vector<16x1xi32>
      %gather3A_508 = vector.shape_cast %broadcast_in_dim3A_507 : vector<16x1xi32> to vector<16xi32>
      %gather3A_509 = tpu.dynamic_gather %add3A_496[%gather3A_508] in [0] : vector<16xf32>, vector<16xi32> -> vector<16xf32>
      %add3A_510 = arith.addf %add3A_496, %gather3A_509 : vector<16xf32>
      %xor3A_511 = arith.constant 8 : i32
      %xor3A_512 = vector.broadcast %xor3A_511 : i32 to vector<16xi32>
      %xor3A_513 = arith.xori %iota3A, %xor3A_512 : vector<16xi32>
      %lt3A_514 = arith.constant 0 : i32
      %lt3A_515 = vector.broadcast %lt3A_514 : i32 to vector<16xi32>
      %lt3A_516 = arith.cmpi slt, %xor3A_513, %lt3A_515 : vector<16xi32>
      %add3A_517 = arith.constant 16 : i32
      %add3A_518 = vector.broadcast %add3A_517 : i32 to vector<16xi32>
      %add3A_519 = arith.addi %xor3A_513, %add3A_518 : vector<16xi32>
      %select_n3A_520 = arith.select %lt3A_516, %add3A_519, %xor3A_513 : vector<16xi1>, vector<16xi32>
      %broadcast_in_dim3A_521 = vector.shape_cast %select_n3A_520 : vector<16xi32> to vector<16x1xi32>
      %gather3A_522 = vector.shape_cast %broadcast_in_dim3A_521 : vector<16x1xi32> to vector<16xi32>
      %gather3A_523 = tpu.dynamic_gather %add3A_510[%gather3A_522] in [0] : vector<16xf32>, vector<16xi32> -> vector<16xf32>
      %add3A_524 = arith.addf %add3A_510, %gather3A_523 : vector<16xf32>
      %eq3A_525 = arith.constant 7 : i32
      %eq3A_526 = vector.broadcast %eq3A_525 : i32 to vector<16xi32>
      %eq3A_527 = arith.cmpi eq, %iota3A, %eq3A_526 : vector<16xi32>
      %select_n3A_528 = arith.select %eq3A_527, %add3A_524, %select_n3A_468 : vector<16xi1>, vector<16xf32>
      %xor3A_529 = arith.constant 1 : i32
      %xor3A_530 = vector.broadcast %xor3A_529 : i32 to vector<16xi32>
      %xor3A_531 = arith.xori %iota3A, %xor3A_530 : vector<16xi32>
      %lt3A_532 = arith.constant 0 : i32
      %lt3A_533 = vector.broadcast %lt3A_532 : i32 to vector<16xi32>
      %lt3A_534 = arith.cmpi slt, %xor3A_531, %lt3A_533 : vector<16xi32>
      %add3A_535 = arith.constant 16 : i32
      %add3A_536 = vector.broadcast %add3A_535 : i32 to vector<16xi32>
      %add3A_537 = arith.addi %xor3A_531, %add3A_536 : vector<16xi32>
      %select_n3A_538 = arith.select %lt3A_534, %add3A_537, %xor3A_531 : vector<16xi1>, vector<16xi32>
      %broadcast_in_dim3A_539 = vector.shape_cast %select_n3A_538 : vector<16xi32> to vector<16x1xi32>
      %gather3A_540 = vector.shape_cast %broadcast_in_dim3A_539 : vector<16x1xi32> to vector<16xi32>
      %gather3A_541 = tpu.dynamic_gather %scan3A_50#8[%gather3A_540] in [0] : vector<16xf32>, vector<16xi32> -> vector<16xf32>
      %add3A_542 = arith.addf %scan3A_50#8, %gather3A_541 : vector<16xf32>
      %xor3A_543 = arith.constant 2 : i32
      %xor3A_544 = vector.broadcast %xor3A_543 : i32 to vector<16xi32>
      %xor3A_545 = arith.xori %iota3A, %xor3A_544 : vector<16xi32>
      %lt3A_546 = arith.constant 0 : i32
      %lt3A_547 = vector.broadcast %lt3A_546 : i32 to vector<16xi32>
      %lt3A_548 = arith.cmpi slt, %xor3A_545, %lt3A_547 : vector<16xi32>
      %add3A_549 = arith.constant 16 : i32
      %add3A_550 = vector.broadcast %add3A_549 : i32 to vector<16xi32>
      %add3A_551 = arith.addi %xor3A_545, %add3A_550 : vector<16xi32>
      %select_n3A_552 = arith.select %lt3A_548, %add3A_551, %xor3A_545 : vector<16xi1>, vector<16xi32>
      %broadcast_in_dim3A_553 = vector.shape_cast %select_n3A_552 : vector<16xi32> to vector<16x1xi32>
      %gather3A_554 = vector.shape_cast %broadcast_in_dim3A_553 : vector<16x1xi32> to vector<16xi32>
      %gather3A_555 = tpu.dynamic_gather %add3A_542[%gather3A_554] in [0] : vector<16xf32>, vector<16xi32> -> vector<16xf32>
      %add3A_556 = arith.addf %add3A_542, %gather3A_555 : vector<16xf32>
      %xor3A_557 = arith.constant 4 : i32
      %xor3A_558 = vector.broadcast %xor3A_557 : i32 to vector<16xi32>
      %xor3A_559 = arith.xori %iota3A, %xor3A_558 : vector<16xi32>
      %lt3A_560 = arith.constant 0 : i32
      %lt3A_561 = vector.broadcast %lt3A_560 : i32 to vector<16xi32>
      %lt3A_562 = arith.cmpi slt, %xor3A_559, %lt3A_561 : vector<16xi32>
      %add3A_563 = arith.constant 16 : i32
      %add3A_564 = vector.broadcast %add3A_563 : i32 to vector<16xi32>
      %add3A_565 = arith.addi %xor3A_559, %add3A_564 : vector<16xi32>
      %select_n3A_566 = arith.select %lt3A_562, %add3A_565, %xor3A_559 : vector<16xi1>, vector<16xi32>
      %broadcast_in_dim3A_567 = vector.shape_cast %select_n3A_566 : vector<16xi32> to vector<16x1xi32>
      %gather3A_568 = vector.shape_cast %broadcast_in_dim3A_567 : vector<16x1xi32> to vector<16xi32>
      %gather3A_569 = tpu.dynamic_gather %add3A_556[%gather3A_568] in [0] : vector<16xf32>, vector<16xi32> -> vector<16xf32>
      %add3A_570 = arith.addf %add3A_556, %gather3A_569 : vector<16xf32>
      %xor3A_571 = arith.constant 8 : i32
      %xor3A_572 = vector.broadcast %xor3A_571 : i32 to vector<16xi32>
      %xor3A_573 = arith.xori %iota3A, %xor3A_572 : vector<16xi32>
      %lt3A_574 = arith.constant 0 : i32
      %lt3A_575 = vector.broadcast %lt3A_574 : i32 to vector<16xi32>
      %lt3A_576 = arith.cmpi slt, %xor3A_573, %lt3A_575 : vector<16xi32>
      %add3A_577 = arith.constant 16 : i32
      %add3A_578 = vector.broadcast %add3A_577 : i32 to vector<16xi32>
      %add3A_579 = arith.addi %xor3A_573, %add3A_578 : vector<16xi32>
      %select_n3A_580 = arith.select %lt3A_576, %add3A_579, %xor3A_573 : vector<16xi1>, vector<16xi32>
      %broadcast_in_dim3A_581 = vector.shape_cast %select_n3A_580 : vector<16xi32> to vector<16x1xi32>
      %gather3A_582 = vector.shape_cast %broadcast_in_dim3A_581 : vector<16x1xi32> to vector<16xi32>
      %gather3A_583 = tpu.dynamic_gather %add3A_570[%gather3A_582] in [0] : vector<16xf32>, vector<16xi32> -> vector<16xf32>
      %add3A_584 = arith.addf %add3A_570, %gather3A_583 : vector<16xf32>
      %eq3A_585 = arith.constant 8 : i32
      %eq3A_586 = vector.broadcast %eq3A_585 : i32 to vector<16xi32>
      %eq3A_587 = arith.cmpi eq, %iota3A, %eq3A_586 : vector<16xi32>
      %select_n3A_588 = arith.select %eq3A_587, %add3A_584, %select_n3A_528 : vector<16xi1>, vector<16xf32>
      %xor3A_589 = arith.constant 1 : i32
      %xor3A_590 = vector.broadcast %xor3A_589 : i32 to vector<16xi32>
      %xor3A_591 = arith.xori %iota3A, %xor3A_590 : vector<16xi32>
      %lt3A_592 = arith.constant 0 : i32
      %lt3A_593 = vector.broadcast %lt3A_592 : i32 to vector<16xi32>
      %lt3A_594 = arith.cmpi slt, %xor3A_591, %lt3A_593 : vector<16xi32>
      %add3A_595 = arith.constant 16 : i32
      %add3A_596 = vector.broadcast %add3A_595 : i32 to vector<16xi32>
      %add3A_597 = arith.addi %xor3A_591, %add3A_596 : vector<16xi32>
      %select_n3A_598 = arith.select %lt3A_594, %add3A_597, %xor3A_591 : vector<16xi1>, vector<16xi32>
      %broadcast_in_dim3A_599 = vector.shape_cast %select_n3A_598 : vector<16xi32> to vector<16x1xi32>
      %gather3A_600 = vector.shape_cast %broadcast_in_dim3A_599 : vector<16x1xi32> to vector<16xi32>
      %gather3A_601 = tpu.dynamic_gather %scan3A_50#9[%gather3A_600] in [0] : vector<16xf32>, vector<16xi32> -> vector<16xf32>
      %add3A_602 = arith.addf %scan3A_50#9, %gather3A_601 : vector<16xf32>
      %xor3A_603 = arith.constant 2 : i32
      %xor3A_604 = vector.broadcast %xor3A_603 : i32 to vector<16xi32>
      %xor3A_605 = arith.xori %iota3A, %xor3A_604 : vector<16xi32>
      %lt3A_606 = arith.constant 0 : i32
      %lt3A_607 = vector.broadcast %lt3A_606 : i32 to vector<16xi32>
      %lt3A_608 = arith.cmpi slt, %xor3A_605, %lt3A_607 : vector<16xi32>
      %add3A_609 = arith.constant 16 : i32
      %add3A_610 = vector.broadcast %add3A_609 : i32 to vector<16xi32>
      %add3A_611 = arith.addi %xor3A_605, %add3A_610 : vector<16xi32>
      %select_n3A_612 = arith.select %lt3A_608, %add3A_611, %xor3A_605 : vector<16xi1>, vector<16xi32>
      %broadcast_in_dim3A_613 = vector.shape_cast %select_n3A_612 : vector<16xi32> to vector<16x1xi32>
      %gather3A_614 = vector.shape_cast %broadcast_in_dim3A_613 : vector<16x1xi32> to vector<16xi32>
      %gather3A_615 = tpu.dynamic_gather %add3A_602[%gather3A_614] in [0] : vector<16xf32>, vector<16xi32> -> vector<16xf32>
      %add3A_616 = arith.addf %add3A_602, %gather3A_615 : vector<16xf32>
      %xor3A_617 = arith.constant 4 : i32
      %xor3A_618 = vector.broadcast %xor3A_617 : i32 to vector<16xi32>
      %xor3A_619 = arith.xori %iota3A, %xor3A_618 : vector<16xi32>
      %lt3A_620 = arith.constant 0 : i32
      %lt3A_621 = vector.broadcast %lt3A_620 : i32 to vector<16xi32>
      %lt3A_622 = arith.cmpi slt, %xor3A_619, %lt3A_621 : vector<16xi32>
      %add3A_623 = arith.constant 16 : i32
      %add3A_624 = vector.broadcast %add3A_623 : i32 to vector<16xi32>
      %add3A_625 = arith.addi %xor3A_619, %add3A_624 : vector<16xi32>
      %select_n3A_626 = arith.select %lt3A_622, %add3A_625, %xor3A_619 : vector<16xi1>, vector<16xi32>
      %broadcast_in_dim3A_627 = vector.shape_cast %select_n3A_626 : vector<16xi32> to vector<16x1xi32>
      %gather3A_628 = vector.shape_cast %broadcast_in_dim3A_627 : vector<16x1xi32> to vector<16xi32>
      %gather3A_629 = tpu.dynamic_gather %add3A_616[%gather3A_628] in [0] : vector<16xf32>, vector<16xi32> -> vector<16xf32>
      %add3A_630 = arith.addf %add3A_616, %gather3A_629 : vector<16xf32>
      %xor3A_631 = arith.constant 8 : i32
      %xor3A_632 = vector.broadcast %xor3A_631 : i32 to vector<16xi32>
      %xor3A_633 = arith.xori %iota3A, %xor3A_632 : vector<16xi32>
      %lt3A_634 = arith.constant 0 : i32
      %lt3A_635 = vector.broadcast %lt3A_634 : i32 to vector<16xi32>
      %lt3A_636 = arith.cmpi slt, %xor3A_633, %lt3A_635 : vector<16xi32>
      %add3A_637 = arith.constant 16 : i32
      %add3A_638 = vector.broadcast %add3A_637 : i32 to vector<16xi32>
      %add3A_639 = arith.addi %xor3A_633, %add3A_638 : vector<16xi32>
      %select_n3A_640 = arith.select %lt3A_636, %add3A_639, %xor3A_633 : vector<16xi1>, vector<16xi32>
      %broadcast_in_dim3A_641 = vector.shape_cast %select_n3A_640 : vector<16xi32> to vector<16x1xi32>
      %gather3A_642 = vector.shape_cast %broadcast_in_dim3A_641 : vector<16x1xi32> to vector<16xi32>
      %gather3A_643 = tpu.dynamic_gather %add3A_630[%gather3A_642] in [0] : vector<16xf32>, vector<16xi32> -> vector<16xf32>
      %add3A_644 = arith.addf %add3A_630, %gather3A_643 : vector<16xf32>
      %eq3A_645 = arith.constant 9 : i32
      %eq3A_646 = vector.broadcast %eq3A_645 : i32 to vector<16xi32>
      %eq3A_647 = arith.cmpi eq, %iota3A, %eq3A_646 : vector<16xi32>
      %select_n3A_648 = arith.select %eq3A_647, %add3A_644, %select_n3A_588 : vector<16xi1>, vector<16xf32>
      %xor3A_649 = arith.constant 1 : i32
      %xor3A_650 = vector.broadcast %xor3A_649 : i32 to vector<16xi32>
      %xor3A_651 = arith.xori %iota3A, %xor3A_650 : vector<16xi32>
      %lt3A_652 = arith.constant 0 : i32
      %lt3A_653 = vector.broadcast %lt3A_652 : i32 to vector<16xi32>
      %lt3A_654 = arith.cmpi slt, %xor3A_651, %lt3A_653 : vector<16xi32>
      %add3A_655 = arith.constant 16 : i32
      %add3A_656 = vector.broadcast %add3A_655 : i32 to vector<16xi32>
      %add3A_657 = arith.addi %xor3A_651, %add3A_656 : vector<16xi32>
      %select_n3A_658 = arith.select %lt3A_654, %add3A_657, %xor3A_651 : vector<16xi1>, vector<16xi32>
      %broadcast_in_dim3A_659 = vector.shape_cast %select_n3A_658 : vector<16xi32> to vector<16x1xi32>
      %gather3A_660 = vector.shape_cast %broadcast_in_dim3A_659 : vector<16x1xi32> to vector<16xi32>
      %gather3A_661 = tpu.dynamic_gather %scan3A_50#10[%gather3A_660] in [0] : vector<16xf32>, vector<16xi32> -> vector<16xf32>
      %add3A_662 = arith.addf %scan3A_50#10, %gather3A_661 : vector<16xf32>
      %xor3A_663 = arith.constant 2 : i32
      %xor3A_664 = vector.broadcast %xor3A_663 : i32 to vector<16xi32>
      %xor3A_665 = arith.xori %iota3A, %xor3A_664 : vector<16xi32>
      %lt3A_666 = arith.constant 0 : i32
      %lt3A_667 = vector.broadcast %lt3A_666 : i32 to vector<16xi32>
      %lt3A_668 = arith.cmpi slt, %xor3A_665, %lt3A_667 : vector<16xi32>
      %add3A_669 = arith.constant 16 : i32
      %add3A_670 = vector.broadcast %add3A_669 : i32 to vector<16xi32>
      %add3A_671 = arith.addi %xor3A_665, %add3A_670 : vector<16xi32>
      %select_n3A_672 = arith.select %lt3A_668, %add3A_671, %xor3A_665 : vector<16xi1>, vector<16xi32>
      %broadcast_in_dim3A_673 = vector.shape_cast %select_n3A_672 : vector<16xi32> to vector<16x1xi32>
      %gather3A_674 = vector.shape_cast %broadcast_in_dim3A_673 : vector<16x1xi32> to vector<16xi32>
      %gather3A_675 = tpu.dynamic_gather %add3A_662[%gather3A_674] in [0] : vector<16xf32>, vector<16xi32> -> vector<16xf32>
      %add3A_676 = arith.addf %add3A_662, %gather3A_675 : vector<16xf32>
      %xor3A_677 = arith.constant 4 : i32
      %xor3A_678 = vector.broadcast %xor3A_677 : i32 to vector<16xi32>
      %xor3A_679 = arith.xori %iota3A, %xor3A_678 : vector<16xi32>
      %lt3A_680 = arith.constant 0 : i32
      %lt3A_681 = vector.broadcast %lt3A_680 : i32 to vector<16xi32>
      %lt3A_682 = arith.cmpi slt, %xor3A_679, %lt3A_681 : vector<16xi32>
      %add3A_683 = arith.constant 16 : i32
      %add3A_684 = vector.broadcast %add3A_683 : i32 to vector<16xi32>
      %add3A_685 = arith.addi %xor3A_679, %add3A_684 : vector<16xi32>
      %select_n3A_686 = arith.select %lt3A_682, %add3A_685, %xor3A_679 : vector<16xi1>, vector<16xi32>
      %broadcast_in_dim3A_687 = vector.shape_cast %select_n3A_686 : vector<16xi32> to vector<16x1xi32>
      %gather3A_688 = vector.shape_cast %broadcast_in_dim3A_687 : vector<16x1xi32> to vector<16xi32>
      %gather3A_689 = tpu.dynamic_gather %add3A_676[%gather3A_688] in [0] : vector<16xf32>, vector<16xi32> -> vector<16xf32>
      %add3A_690 = arith.addf %add3A_676, %gather3A_689 : vector<16xf32>
      %xor3A_691 = arith.constant 8 : i32
      %xor3A_692 = vector.broadcast %xor3A_691 : i32 to vector<16xi32>
      %xor3A_693 = arith.xori %iota3A, %xor3A_692 : vector<16xi32>
      %lt3A_694 = arith.constant 0 : i32
      %lt3A_695 = vector.broadcast %lt3A_694 : i32 to vector<16xi32>
      %lt3A_696 = arith.cmpi slt, %xor3A_693, %lt3A_695 : vector<16xi32>
      %add3A_697 = arith.constant 16 : i32
      %add3A_698 = vector.broadcast %add3A_697 : i32 to vector<16xi32>
      %add3A_699 = arith.addi %xor3A_693, %add3A_698 : vector<16xi32>
      %select_n3A_700 = arith.select %lt3A_696, %add3A_699, %xor3A_693 : vector<16xi1>, vector<16xi32>
      %broadcast_in_dim3A_701 = vector.shape_cast %select_n3A_700 : vector<16xi32> to vector<16x1xi32>
      %gather3A_702 = vector.shape_cast %broadcast_in_dim3A_701 : vector<16x1xi32> to vector<16xi32>
      %gather3A_703 = tpu.dynamic_gather %add3A_690[%gather3A_702] in [0] : vector<16xf32>, vector<16xi32> -> vector<16xf32>
      %add3A_704 = arith.addf %add3A_690, %gather3A_703 : vector<16xf32>
      %eq3A_705 = arith.constant 10 : i32
      %eq3A_706 = vector.broadcast %eq3A_705 : i32 to vector<16xi32>
      %eq3A_707 = arith.cmpi eq, %iota3A, %eq3A_706 : vector<16xi32>
      %select_n3A_708 = arith.select %eq3A_707, %add3A_704, %select_n3A_648 : vector<16xi1>, vector<16xf32>
      %xor3A_709 = arith.constant 1 : i32
      %xor3A_710 = vector.broadcast %xor3A_709 : i32 to vector<16xi32>
      %xor3A_711 = arith.xori %iota3A, %xor3A_710 : vector<16xi32>
      %lt3A_712 = arith.constant 0 : i32
      %lt3A_713 = vector.broadcast %lt3A_712 : i32 to vector<16xi32>
      %lt3A_714 = arith.cmpi slt, %xor3A_711, %lt3A_713 : vector<16xi32>
      %add3A_715 = arith.constant 16 : i32
      %add3A_716 = vector.broadcast %add3A_715 : i32 to vector<16xi32>
      %add3A_717 = arith.addi %xor3A_711, %add3A_716 : vector<16xi32>
      %select_n3A_718 = arith.select %lt3A_714, %add3A_717, %xor3A_711 : vector<16xi1>, vector<16xi32>
      %broadcast_in_dim3A_719 = vector.shape_cast %select_n3A_718 : vector<16xi32> to vector<16x1xi32>
      %gather3A_720 = vector.shape_cast %broadcast_in_dim3A_719 : vector<16x1xi32> to vector<16xi32>
      %gather3A_721 = tpu.dynamic_gather %scan3A_50#11[%gather3A_720] in [0] : vector<16xf32>, vector<16xi32> -> vector<16xf32>
      %add3A_722 = arith.addf %scan3A_50#11, %gather3A_721 : vector<16xf32>
      %xor3A_723 = arith.constant 2 : i32
      %xor3A_724 = vector.broadcast %xor3A_723 : i32 to vector<16xi32>
      %xor3A_725 = arith.xori %iota3A, %xor3A_724 : vector<16xi32>
      %lt3A_726 = arith.constant 0 : i32
      %lt3A_727 = vector.broadcast %lt3A_726 : i32 to vector<16xi32>
      %lt3A_728 = arith.cmpi slt, %xor3A_725, %lt3A_727 : vector<16xi32>
      %add3A_729 = arith.constant 16 : i32
      %add3A_730 = vector.broadcast %add3A_729 : i32 to vector<16xi32>
      %add3A_731 = arith.addi %xor3A_725, %add3A_730 : vector<16xi32>
      %select_n3A_732 = arith.select %lt3A_728, %add3A_731, %xor3A_725 : vector<16xi1>, vector<16xi32>
      %broadcast_in_dim3A_733 = vector.shape_cast %select_n3A_732 : vector<16xi32> to vector<16x1xi32>
      %gather3A_734 = vector.shape_cast %broadcast_in_dim3A_733 : vector<16x1xi32> to vector<16xi32>
      %gather3A_735 = tpu.dynamic_gather %add3A_722[%gather3A_734] in [0] : vector<16xf32>, vector<16xi32> -> vector<16xf32>
      %add3A_736 = arith.addf %add3A_722, %gather3A_735 : vector<16xf32>
      %xor3A_737 = arith.constant 4 : i32
      %xor3A_738 = vector.broadcast %xor3A_737 : i32 to vector<16xi32>
      %xor3A_739 = arith.xori %iota3A, %xor3A_738 : vector<16xi32>
      %lt3A_740 = arith.constant 0 : i32
      %lt3A_741 = vector.broadcast %lt3A_740 : i32 to vector<16xi32>
      %lt3A_742 = arith.cmpi slt, %xor3A_739, %lt3A_741 : vector<16xi32>
      %add3A_743 = arith.constant 16 : i32
      %add3A_744 = vector.broadcast %add3A_743 : i32 to vector<16xi32>
      %add3A_745 = arith.addi %xor3A_739, %add3A_744 : vector<16xi32>
      %select_n3A_746 = arith.select %lt3A_742, %add3A_745, %xor3A_739 : vector<16xi1>, vector<16xi32>
      %broadcast_in_dim3A_747 = vector.shape_cast %select_n3A_746 : vector<16xi32> to vector<16x1xi32>
      %gather3A_748 = vector.shape_cast %broadcast_in_dim3A_747 : vector<16x1xi32> to vector<16xi32>
      %gather3A_749 = tpu.dynamic_gather %add3A_736[%gather3A_748] in [0] : vector<16xf32>, vector<16xi32> -> vector<16xf32>
      %add3A_750 = arith.addf %add3A_736, %gather3A_749 : vector<16xf32>
      %xor3A_751 = arith.constant 8 : i32
      %xor3A_752 = vector.broadcast %xor3A_751 : i32 to vector<16xi32>
      %xor3A_753 = arith.xori %iota3A, %xor3A_752 : vector<16xi32>
      %lt3A_754 = arith.constant 0 : i32
      %lt3A_755 = vector.broadcast %lt3A_754 : i32 to vector<16xi32>
      %lt3A_756 = arith.cmpi slt, %xor3A_753, %lt3A_755 : vector<16xi32>
      %add3A_757 = arith.constant 16 : i32
      %add3A_758 = vector.broadcast %add3A_757 : i32 to vector<16xi32>
      %add3A_759 = arith.addi %xor3A_753, %add3A_758 : vector<16xi32>
      %select_n3A_760 = arith.select %lt3A_756, %add3A_759, %xor3A_753 : vector<16xi1>, vector<16xi32>
      %broadcast_in_dim3A_761 = vector.shape_cast %select_n3A_760 : vector<16xi32> to vector<16x1xi32>
      %gather3A_762 = vector.shape_cast %broadcast_in_dim3A_761 : vector<16x1xi32> to vector<16xi32>
      %gather3A_763 = tpu.dynamic_gather %add3A_750[%gather3A_762] in [0] : vector<16xf32>, vector<16xi32> -> vector<16xf32>
      %add3A_764 = arith.addf %add3A_750, %gather3A_763 : vector<16xf32>
      %eq3A_765 = arith.constant 11 : i32
      %eq3A_766 = vector.broadcast %eq3A_765 : i32 to vector<16xi32>
      %eq3A_767 = arith.cmpi eq, %iota3A, %eq3A_766 : vector<16xi32>
      %select_n3A_768 = arith.select %eq3A_767, %add3A_764, %select_n3A_708 : vector<16xi1>, vector<16xf32>
      %xor3A_769 = arith.constant 1 : i32
      %xor3A_770 = vector.broadcast %xor3A_769 : i32 to vector<16xi32>
      %xor3A_771 = arith.xori %iota3A, %xor3A_770 : vector<16xi32>
      %lt3A_772 = arith.constant 0 : i32
      %lt3A_773 = vector.broadcast %lt3A_772 : i32 to vector<16xi32>
      %lt3A_774 = arith.cmpi slt, %xor3A_771, %lt3A_773 : vector<16xi32>
      %add3A_775 = arith.constant 16 : i32
      %add3A_776 = vector.broadcast %add3A_775 : i32 to vector<16xi32>
      %add3A_777 = arith.addi %xor3A_771, %add3A_776 : vector<16xi32>
      %select_n3A_778 = arith.select %lt3A_774, %add3A_777, %xor3A_771 : vector<16xi1>, vector<16xi32>
      %broadcast_in_dim3A_779 = vector.shape_cast %select_n3A_778 : vector<16xi32> to vector<16x1xi32>
      %gather3A_780 = vector.shape_cast %broadcast_in_dim3A_779 : vector<16x1xi32> to vector<16xi32>
      %gather3A_781 = tpu.dynamic_gather %scan3A_50#12[%gather3A_780] in [0] : vector<16xf32>, vector<16xi32> -> vector<16xf32>
      %add3A_782 = arith.addf %scan3A_50#12, %gather3A_781 : vector<16xf32>
      %xor3A_783 = arith.constant 2 : i32
      %xor3A_784 = vector.broadcast %xor3A_783 : i32 to vector<16xi32>
      %xor3A_785 = arith.xori %iota3A, %xor3A_784 : vector<16xi32>
      %lt3A_786 = arith.constant 0 : i32
      %lt3A_787 = vector.broadcast %lt3A_786 : i32 to vector<16xi32>
      %lt3A_788 = arith.cmpi slt, %xor3A_785, %lt3A_787 : vector<16xi32>
      %add3A_789 = arith.constant 16 : i32
      %add3A_790 = vector.broadcast %add3A_789 : i32 to vector<16xi32>
      %add3A_791 = arith.addi %xor3A_785, %add3A_790 : vector<16xi32>
      %select_n3A_792 = arith.select %lt3A_788, %add3A_791, %xor3A_785 : vector<16xi1>, vector<16xi32>
      %broadcast_in_dim3A_793 = vector.shape_cast %select_n3A_792 : vector<16xi32> to vector<16x1xi32>
      %gather3A_794 = vector.shape_cast %broadcast_in_dim3A_793 : vector<16x1xi32> to vector<16xi32>
      %gather3A_795 = tpu.dynamic_gather %add3A_782[%gather3A_794] in [0] : vector<16xf32>, vector<16xi32> -> vector<16xf32>
      %add3A_796 = arith.addf %add3A_782, %gather3A_795 : vector<16xf32>
      %xor3A_797 = arith.constant 4 : i32
      %xor3A_798 = vector.broadcast %xor3A_797 : i32 to vector<16xi32>
      %xor3A_799 = arith.xori %iota3A, %xor3A_798 : vector<16xi32>
      %lt3A_800 = arith.constant 0 : i32
      %lt3A_801 = vector.broadcast %lt3A_800 : i32 to vector<16xi32>
      %lt3A_802 = arith.cmpi slt, %xor3A_799, %lt3A_801 : vector<16xi32>
      %add3A_803 = arith.constant 16 : i32
      %add3A_804 = vector.broadcast %add3A_803 : i32 to vector<16xi32>
      %add3A_805 = arith.addi %xor3A_799, %add3A_804 : vector<16xi32>
      %select_n3A_806 = arith.select %lt3A_802, %add3A_805, %xor3A_799 : vector<16xi1>, vector<16xi32>
      %broadcast_in_dim3A_807 = vector.shape_cast %select_n3A_806 : vector<16xi32> to vector<16x1xi32>
      %gather3A_808 = vector.shape_cast %broadcast_in_dim3A_807 : vector<16x1xi32> to vector<16xi32>
      %gather3A_809 = tpu.dynamic_gather %add3A_796[%gather3A_808] in [0] : vector<16xf32>, vector<16xi32> -> vector<16xf32>
      %add3A_810 = arith.addf %add3A_796, %gather3A_809 : vector<16xf32>
      %xor3A_811 = arith.constant 8 : i32
      %xor3A_812 = vector.broadcast %xor3A_811 : i32 to vector<16xi32>
      %xor3A_813 = arith.xori %iota3A, %xor3A_812 : vector<16xi32>
      %lt3A_814 = arith.constant 0 : i32
      %lt3A_815 = vector.broadcast %lt3A_814 : i32 to vector<16xi32>
      %lt3A_816 = arith.cmpi slt, %xor3A_813, %lt3A_815 : vector<16xi32>
      %add3A_817 = arith.constant 16 : i32
      %add3A_818 = vector.broadcast %add3A_817 : i32 to vector<16xi32>
      %add3A_819 = arith.addi %xor3A_813, %add3A_818 : vector<16xi32>
      %select_n3A_820 = arith.select %lt3A_816, %add3A_819, %xor3A_813 : vector<16xi1>, vector<16xi32>
      %broadcast_in_dim3A_821 = vector.shape_cast %select_n3A_820 : vector<16xi32> to vector<16x1xi32>
      %gather3A_822 = vector.shape_cast %broadcast_in_dim3A_821 : vector<16x1xi32> to vector<16xi32>
      %gather3A_823 = tpu.dynamic_gather %add3A_810[%gather3A_822] in [0] : vector<16xf32>, vector<16xi32> -> vector<16xf32>
      %add3A_824 = arith.addf %add3A_810, %gather3A_823 : vector<16xf32>
      %eq3A_825 = arith.constant 12 : i32
      %eq3A_826 = vector.broadcast %eq3A_825 : i32 to vector<16xi32>
      %eq3A_827 = arith.cmpi eq, %iota3A, %eq3A_826 : vector<16xi32>
      %select_n3A_828 = arith.select %eq3A_827, %add3A_824, %select_n3A_768 : vector<16xi1>, vector<16xf32>
      %xor3A_829 = arith.constant 1 : i32
      %xor3A_830 = vector.broadcast %xor3A_829 : i32 to vector<16xi32>
      %xor3A_831 = arith.xori %iota3A, %xor3A_830 : vector<16xi32>
      %lt3A_832 = arith.constant 0 : i32
      %lt3A_833 = vector.broadcast %lt3A_832 : i32 to vector<16xi32>
      %lt3A_834 = arith.cmpi slt, %xor3A_831, %lt3A_833 : vector<16xi32>
      %add3A_835 = arith.constant 16 : i32
      %add3A_836 = vector.broadcast %add3A_835 : i32 to vector<16xi32>
      %add3A_837 = arith.addi %xor3A_831, %add3A_836 : vector<16xi32>
      %select_n3A_838 = arith.select %lt3A_834, %add3A_837, %xor3A_831 : vector<16xi1>, vector<16xi32>
      %broadcast_in_dim3A_839 = vector.shape_cast %select_n3A_838 : vector<16xi32> to vector<16x1xi32>
      %gather3A_840 = vector.shape_cast %broadcast_in_dim3A_839 : vector<16x1xi32> to vector<16xi32>
      %gather3A_841 = tpu.dynamic_gather %scan3A_50#13[%gather3A_840] in [0] : vector<16xf32>, vector<16xi32> -> vector<16xf32>
      %add3A_842 = arith.addf %scan3A_50#13, %gather3A_841 : vector<16xf32>
      %xor3A_843 = arith.constant 2 : i32
      %xor3A_844 = vector.broadcast %xor3A_843 : i32 to vector<16xi32>
      %xor3A_845 = arith.xori %iota3A, %xor3A_844 : vector<16xi32>
      %lt3A_846 = arith.constant 0 : i32
      %lt3A_847 = vector.broadcast %lt3A_846 : i32 to vector<16xi32>
      %lt3A_848 = arith.cmpi slt, %xor3A_845, %lt3A_847 : vector<16xi32>
      %add3A_849 = arith.constant 16 : i32
      %add3A_850 = vector.broadcast %add3A_849 : i32 to vector<16xi32>
      %add3A_851 = arith.addi %xor3A_845, %add3A_850 : vector<16xi32>
      %select_n3A_852 = arith.select %lt3A_848, %add3A_851, %xor3A_845 : vector<16xi1>, vector<16xi32>
      %broadcast_in_dim3A_853 = vector.shape_cast %select_n3A_852 : vector<16xi32> to vector<16x1xi32>
      %gather3A_854 = vector.shape_cast %broadcast_in_dim3A_853 : vector<16x1xi32> to vector<16xi32>
      %gather3A_855 = tpu.dynamic_gather %add3A_842[%gather3A_854] in [0] : vector<16xf32>, vector<16xi32> -> vector<16xf32>
      %add3A_856 = arith.addf %add3A_842, %gather3A_855 : vector<16xf32>
      %xor3A_857 = arith.constant 4 : i32
      %xor3A_858 = vector.broadcast %xor3A_857 : i32 to vector<16xi32>
      %xor3A_859 = arith.xori %iota3A, %xor3A_858 : vector<16xi32>
      %lt3A_860 = arith.constant 0 : i32
      %lt3A_861 = vector.broadcast %lt3A_860 : i32 to vector<16xi32>
      %lt3A_862 = arith.cmpi slt, %xor3A_859, %lt3A_861 : vector<16xi32>
      %add3A_863 = arith.constant 16 : i32
      %add3A_864 = vector.broadcast %add3A_863 : i32 to vector<16xi32>
      %add3A_865 = arith.addi %xor3A_859, %add3A_864 : vector<16xi32>
      %select_n3A_866 = arith.select %lt3A_862, %add3A_865, %xor3A_859 : vector<16xi1>, vector<16xi32>
      %broadcast_in_dim3A_867 = vector.shape_cast %select_n3A_866 : vector<16xi32> to vector<16x1xi32>
      %gather3A_868 = vector.shape_cast %broadcast_in_dim3A_867 : vector<16x1xi32> to vector<16xi32>
      %gather3A_869 = tpu.dynamic_gather %add3A_856[%gather3A_868] in [0] : vector<16xf32>, vector<16xi32> -> vector<16xf32>
      %add3A_870 = arith.addf %add3A_856, %gather3A_869 : vector<16xf32>
      %xor3A_871 = arith.constant 8 : i32
      %xor3A_872 = vector.broadcast %xor3A_871 : i32 to vector<16xi32>
      %xor3A_873 = arith.xori %iota3A, %xor3A_872 : vector<16xi32>
      %lt3A_874 = arith.constant 0 : i32
      %lt3A_875 = vector.broadcast %lt3A_874 : i32 to vector<16xi32>
      %lt3A_876 = arith.cmpi slt, %xor3A_873, %lt3A_875 : vector<16xi32>
      %add3A_877 = arith.constant 16 : i32
      %add3A_878 = vector.broadcast %add3A_877 : i32 to vector<16xi32>
      %add3A_879 = arith.addi %xor3A_873, %add3A_878 : vector<16xi32>
      %select_n3A_880 = arith.select %lt3A_876, %add3A_879, %xor3A_873 : vector<16xi1>, vector<16xi32>
      %broadcast_in_dim3A_881 = vector.shape_cast %select_n3A_880 : vector<16xi32> to vector<16x1xi32>
      %gather3A_882 = vector.shape_cast %broadcast_in_dim3A_881 : vector<16x1xi32> to vector<16xi32>
      %gather3A_883 = tpu.dynamic_gather %add3A_870[%gather3A_882] in [0] : vector<16xf32>, vector<16xi32> -> vector<16xf32>
      %add3A_884 = arith.addf %add3A_870, %gather3A_883 : vector<16xf32>
      %eq3A_885 = arith.constant 13 : i32
      %eq3A_886 = vector.broadcast %eq3A_885 : i32 to vector<16xi32>
      %eq3A_887 = arith.cmpi eq, %iota3A, %eq3A_886 : vector<16xi32>
      %select_n3A_888 = arith.select %eq3A_887, %add3A_884, %select_n3A_828 : vector<16xi1>, vector<16xf32>
      %xor3A_889 = arith.constant 1 : i32
      %xor3A_890 = vector.broadcast %xor3A_889 : i32 to vector<16xi32>
      %xor3A_891 = arith.xori %iota3A, %xor3A_890 : vector<16xi32>
      %lt3A_892 = arith.constant 0 : i32
      %lt3A_893 = vector.broadcast %lt3A_892 : i32 to vector<16xi32>
      %lt3A_894 = arith.cmpi slt, %xor3A_891, %lt3A_893 : vector<16xi32>
      %add3A_895 = arith.constant 16 : i32
      %add3A_896 = vector.broadcast %add3A_895 : i32 to vector<16xi32>
      %add3A_897 = arith.addi %xor3A_891, %add3A_896 : vector<16xi32>
      %select_n3A_898 = arith.select %lt3A_894, %add3A_897, %xor3A_891 : vector<16xi1>, vector<16xi32>
      %broadcast_in_dim3A_899 = vector.shape_cast %select_n3A_898 : vector<16xi32> to vector<16x1xi32>
      %gather3A_900 = vector.shape_cast %broadcast_in_dim3A_899 : vector<16x1xi32> to vector<16xi32>
      %gather3A_901 = tpu.dynamic_gather %scan3A_50#14[%gather3A_900] in [0] : vector<16xf32>, vector<16xi32> -> vector<16xf32>
      %add3A_902 = arith.addf %scan3A_50#14, %gather3A_901 : vector<16xf32>
      %xor3A_903 = arith.constant 2 : i32
      %xor3A_904 = vector.broadcast %xor3A_903 : i32 to vector<16xi32>
      %xor3A_905 = arith.xori %iota3A, %xor3A_904 : vector<16xi32>
      %lt3A_906 = arith.constant 0 : i32
      %lt3A_907 = vector.broadcast %lt3A_906 : i32 to vector<16xi32>
      %lt3A_908 = arith.cmpi slt, %xor3A_905, %lt3A_907 : vector<16xi32>
      %add3A_909 = arith.constant 16 : i32
      %add3A_910 = vector.broadcast %add3A_909 : i32 to vector<16xi32>
      %add3A_911 = arith.addi %xor3A_905, %add3A_910 : vector<16xi32>
      %select_n3A_912 = arith.select %lt3A_908, %add3A_911, %xor3A_905 : vector<16xi1>, vector<16xi32>
      %broadcast_in_dim3A_913 = vector.shape_cast %select_n3A_912 : vector<16xi32> to vector<16x1xi32>
      %gather3A_914 = vector.shape_cast %broadcast_in_dim3A_913 : vector<16x1xi32> to vector<16xi32>
      %gather3A_915 = tpu.dynamic_gather %add3A_902[%gather3A_914] in [0] : vector<16xf32>, vector<16xi32> -> vector<16xf32>
      %add3A_916 = arith.addf %add3A_902, %gather3A_915 : vector<16xf32>
      %xor3A_917 = arith.constant 4 : i32
      %xor3A_918 = vector.broadcast %xor3A_917 : i32 to vector<16xi32>
      %xor3A_919 = arith.xori %iota3A, %xor3A_918 : vector<16xi32>
      %lt3A_920 = arith.constant 0 : i32
      %lt3A_921 = vector.broadcast %lt3A_920 : i32 to vector<16xi32>
      %lt3A_922 = arith.cmpi slt, %xor3A_919, %lt3A_921 : vector<16xi32>
      %add3A_923 = arith.constant 16 : i32
      %add3A_924 = vector.broadcast %add3A_923 : i32 to vector<16xi32>
      %add3A_925 = arith.addi %xor3A_919, %add3A_924 : vector<16xi32>
      %select_n3A_926 = arith.select %lt3A_922, %add3A_925, %xor3A_919 : vector<16xi1>, vector<16xi32>
      %broadcast_in_dim3A_927 = vector.shape_cast %select_n3A_926 : vector<16xi32> to vector<16x1xi32>
      %gather3A_928 = vector.shape_cast %broadcast_in_dim3A_927 : vector<16x1xi32> to vector<16xi32>
      %gather3A_929 = tpu.dynamic_gather %add3A_916[%gather3A_928] in [0] : vector<16xf32>, vector<16xi32> -> vector<16xf32>
      %add3A_930 = arith.addf %add3A_916, %gather3A_929 : vector<16xf32>
      %xor3A_931 = arith.constant 8 : i32
      %xor3A_932 = vector.broadcast %xor3A_931 : i32 to vector<16xi32>
      %xor3A_933 = arith.xori %iota3A, %xor3A_932 : vector<16xi32>
      %lt3A_934 = arith.constant 0 : i32
      %lt3A_935 = vector.broadcast %lt3A_934 : i32 to vector<16xi32>
      %lt3A_936 = arith.cmpi slt, %xor3A_933, %lt3A_935 : vector<16xi32>
      %add3A_937 = arith.constant 16 : i32
      %add3A_938 = vector.broadcast %add3A_937 : i32 to vector<16xi32>
      %add3A_939 = arith.addi %xor3A_933, %add3A_938 : vector<16xi32>
      %select_n3A_940 = arith.select %lt3A_936, %add3A_939, %xor3A_933 : vector<16xi1>, vector<16xi32>
      %broadcast_in_dim3A_941 = vector.shape_cast %select_n3A_940 : vector<16xi32> to vector<16x1xi32>
      %gather3A_942 = vector.shape_cast %broadcast_in_dim3A_941 : vector<16x1xi32> to vector<16xi32>
      %gather3A_943 = tpu.dynamic_gather %add3A_930[%gather3A_942] in [0] : vector<16xf32>, vector<16xi32> -> vector<16xf32>
      %add3A_944 = arith.addf %add3A_930, %gather3A_943 : vector<16xf32>
      %eq3A_945 = arith.constant 14 : i32
      %eq3A_946 = vector.broadcast %eq3A_945 : i32 to vector<16xi32>
      %eq3A_947 = arith.cmpi eq, %iota3A, %eq3A_946 : vector<16xi32>
      %select_n3A_948 = arith.select %eq3A_947, %add3A_944, %select_n3A_888 : vector<16xi1>, vector<16xf32>
      %xor3A_949 = arith.constant 1 : i32
      %xor3A_950 = vector.broadcast %xor3A_949 : i32 to vector<16xi32>
      %xor3A_951 = arith.xori %iota3A, %xor3A_950 : vector<16xi32>
      %lt3A_952 = arith.constant 0 : i32
      %lt3A_953 = vector.broadcast %lt3A_952 : i32 to vector<16xi32>
      %lt3A_954 = arith.cmpi slt, %xor3A_951, %lt3A_953 : vector<16xi32>
      %add3A_955 = arith.constant 16 : i32
      %add3A_956 = vector.broadcast %add3A_955 : i32 to vector<16xi32>
      %add3A_957 = arith.addi %xor3A_951, %add3A_956 : vector<16xi32>
      %select_n3A_958 = arith.select %lt3A_954, %add3A_957, %xor3A_951 : vector<16xi1>, vector<16xi32>
      %broadcast_in_dim3A_959 = vector.shape_cast %select_n3A_958 : vector<16xi32> to vector<16x1xi32>
      %gather3A_960 = vector.shape_cast %broadcast_in_dim3A_959 : vector<16x1xi32> to vector<16xi32>
      %gather3A_961 = tpu.dynamic_gather %scan3A_50#15[%gather3A_960] in [0] : vector<16xf32>, vector<16xi32> -> vector<16xf32>
      %add3A_962 = arith.addf %scan3A_50#15, %gather3A_961 : vector<16xf32>
      %xor3A_963 = arith.constant 2 : i32
      %xor3A_964 = vector.broadcast %xor3A_963 : i32 to vector<16xi32>
      %xor3A_965 = arith.xori %iota3A, %xor3A_964 : vector<16xi32>
      %lt3A_966 = arith.constant 0 : i32
      %lt3A_967 = vector.broadcast %lt3A_966 : i32 to vector<16xi32>
      %lt3A_968 = arith.cmpi slt, %xor3A_965, %lt3A_967 : vector<16xi32>
      %add3A_969 = arith.constant 16 : i32
      %add3A_970 = vector.broadcast %add3A_969 : i32 to vector<16xi32>
      %add3A_971 = arith.addi %xor3A_965, %add3A_970 : vector<16xi32>
      %select_n3A_972 = arith.select %lt3A_968, %add3A_971, %xor3A_965 : vector<16xi1>, vector<16xi32>
      %broadcast_in_dim3A_973 = vector.shape_cast %select_n3A_972 : vector<16xi32> to vector<16x1xi32>
      %gather3A_974 = vector.shape_cast %broadcast_in_dim3A_973 : vector<16x1xi32> to vector<16xi32>
      %gather3A_975 = tpu.dynamic_gather %add3A_962[%gather3A_974] in [0] : vector<16xf32>, vector<16xi32> -> vector<16xf32>
      %add3A_976 = arith.addf %add3A_962, %gather3A_975 : vector<16xf32>
      %xor3A_977 = arith.constant 4 : i32
      %xor3A_978 = vector.broadcast %xor3A_977 : i32 to vector<16xi32>
      %xor3A_979 = arith.xori %iota3A, %xor3A_978 : vector<16xi32>
      %lt3A_980 = arith.constant 0 : i32
      %lt3A_981 = vector.broadcast %lt3A_980 : i32 to vector<16xi32>
      %lt3A_982 = arith.cmpi slt, %xor3A_979, %lt3A_981 : vector<16xi32>
      %add3A_983 = arith.constant 16 : i32
      %add3A_984 = vector.broadcast %add3A_983 : i32 to vector<16xi32>
      %add3A_985 = arith.addi %xor3A_979, %add3A_984 : vector<16xi32>
      %select_n3A_986 = arith.select %lt3A_982, %add3A_985, %xor3A_979 : vector<16xi1>, vector<16xi32>
      %broadcast_in_dim3A_987 = vector.shape_cast %select_n3A_986 : vector<16xi32> to vector<16x1xi32>
      %gather3A_988 = vector.shape_cast %broadcast_in_dim3A_987 : vector<16x1xi32> to vector<16xi32>
      %gather3A_989 = tpu.dynamic_gather %add3A_976[%gather3A_988] in [0] : vector<16xf32>, vector<16xi32> -> vector<16xf32>
      %add3A_990 = arith.addf %add3A_976, %gather3A_989 : vector<16xf32>
      %xor3A_991 = arith.constant 8 : i32
      %xor3A_992 = vector.broadcast %xor3A_991 : i32 to vector<16xi32>
      %xor3A_993 = arith.xori %iota3A, %xor3A_992 : vector<16xi32>
      %lt3A_994 = arith.constant 0 : i32
      %lt3A_995 = vector.broadcast %lt3A_994 : i32 to vector<16xi32>
      %lt3A_996 = arith.cmpi slt, %xor3A_993, %lt3A_995 : vector<16xi32>
      %add3A_997 = arith.constant 16 : i32
      %add3A_998 = vector.broadcast %add3A_997 : i32 to vector<16xi32>
      %add3A_999 = arith.addi %xor3A_993, %add3A_998 : vector<16xi32>
      %select_n3A_1000 = arith.select %lt3A_996, %add3A_999, %xor3A_993 : vector<16xi1>, vector<16xi32>
      %broadcast_in_dim3A_1001 = vector.shape_cast %select_n3A_1000 : vector<16xi32> to vector<16x1xi32>
      %gather3A_1002 = vector.shape_cast %broadcast_in_dim3A_1001 : vector<16x1xi32> to vector<16xi32>
      %gather3A_1003 = tpu.dynamic_gather %add3A_990[%gather3A_1002] in [0] : vector<16xf32>, vector<16xi32> -> vector<16xf32>
      %add3A_1004 = arith.addf %add3A_990, %gather3A_1003 : vector<16xf32>
      %eq3A_1005 = arith.constant 15 : i32
      %eq3A_1006 = vector.broadcast %eq3A_1005 : i32 to vector<16xi32>
      %eq3A_1007 = arith.cmpi eq, %iota3A, %eq3A_1006 : vector<16xi32>
      %select_n3A_1008 = arith.select %eq3A_1007, %add3A_1004, %select_n3A_948 : vector<16xi1>, vector<16xf32>
      %get3A = arith.index_cast %mul3A_14 : i32 to index
      %get3A_1009 = tpu.vector_load %arg8[%get3A] {strides = array<i32>} : memref<32xf32, #tpu.memory_space<vmem>>, vector<16xf32>,
      %get3A_1010 = vector.shape_cast %get3A_1009 : vector<16xf32> to vector<16xf32>
      %add3A_1011 = arith.addf %select_n3A_1008, %get3A_1010 : vector<16xf32>
      %swap3A = arith.index_cast %mul3A_14 : i32 to index
      %swap3A_1012 = tpu.vector_load %arg9[%swap3A] {strides = array<i32>} : memref<32xf32, #tpu.memory_space<vmem>>, vector<16xf32>,
      %swap3A_1013 = vector.shape_cast %swap3A_1012 : vector<16xf32> to vector<16xf32>
      %swap3A_1014 = vector.shape_cast %add3A_1011 : vector<16xf32> to vector<16xf32>
      tpu.vector_store %arg9[%swap3A], %swap3A_1014 {strides = array<i32>} : memref<32xf32, #tpu.memory_space<vmem>>, vector<16xf32>,
    }
    %scan3A_9 = arith.constant 2 : i32
    %mul3A_10 = arith.constant 32 : i32
    %mul3A_11 = arith.muli %add3A, %mul3A_10 : i32
    "tpu.region"() ({
      %run_scoped3A = tpu.sem_alloc : memref<!tpu.dma_semaphore, #tpu.memory_space<semaphore_mem>>
      %dma_start3A = tpu.memref_slice %arg5[%mul3A_11] : memref<1024xf32, #tpu.memory_space<hbm>> -> memref<32xf32, #tpu.memory_space<hbm>>
      %dma_start3A_12 = tpu.memref_slice %arg5[%mul3A_11] : memref<1024xf32, #tpu.memory_space<hbm>> -> memref<32xf32, #tpu.memory_space<hbm>>
      tpu.enqueue_dma source(%arg9 : memref<32xf32, #tpu.memory_space<vmem>>) target(%dma_start3A_12 : memref<32xf32, #tpu.memory_space<hbm>>) target_semaphore(%run_scoped3A : memref<!tpu.dma_semaphore, #tpu.memory_space<semaphore_mem>>)
      %dma_wait3A = tpu.memref_slice %arg5[%mul3A_11] : memref<1024xf32, #tpu.memory_space<hbm>> -> memref<32xf32, #tpu.memory_space<hbm>>
      %dma_wait3A_13 = tpu.memref_slice %arg5[%mul3A_11] : memref<1024xf32, #tpu.memory_space<hbm>> -> memref<32xf32, #tpu.memory_space<hbm>>
      tpu.wait_dma2 semaphore(%run_scoped3A : memref<!tpu.dma_semaphore, #tpu.memory_space<semaphore_mem>>) src(%arg9 : memref<32xf32, #tpu.memory_space<vmem>>) dst(%dma_wait3A_13 : memref<32xf32, #tpu.memory_space<hbm>>)
      tpu.yield
    }) : () -> ()
    return
  }
}

module attributes {stable_mosaic.version = 14 : i64} {
  func.func @_embed_body(%arg0: i32, %arg1: memref<1x15xf32, #tpu.memory_space<vmem>>, %arg2: memref<480x15xf32, #tpu.memory_space<vmem>>, %arg3: memref<1x480xf32, #tpu.memory_space<vmem>>, %arg4: memref<640x480xf32, #tpu.memory_space<vmem>>, %arg5: memref<1x1x640xf32, #tpu.memory_space<vmem>>, %arg6: memref<1x640xf32, #tpu.memory_space<vmem>>, %arg7: memref<1x480xf32, #tpu.memory_space<vmem>>) attributes {dimension_semantics = [#tpu.dimension_semantics<arbitrary>], iteration_bounds = array<i64: 3>, scalar_prefetch = 0 : i64, scratch_operands = 1 : i64, tpu.core_type = #tpu.core_type<tc>, window_params = [{pipeline_mode = #tpu.pipeline_mode<synchronous>, transform_indices = @transform_0, window_bounds = array<i64: 1, 15>}, {pipeline_mode = #tpu.pipeline_mode<synchronous>, transform_indices = @transform_1, window_bounds = array<i64: 480, 15>}, {pipeline_mode = #tpu.pipeline_mode<synchronous>, transform_indices = @transform_2, window_bounds = array<i64: 1, 480>}, {transform_indices = @transform_3, window_bounds = array<i64: 640, 480>}, {transform_indices = @transform_4, window_bounds = array<i64: 1, 1, 640>}, {transform_indices = @transform_5, window_bounds = array<i64: 1, 640>}]} {
    %eq3A = arith.constant 0 : i32
    %eq3A_0 = arith.cmpi eq, %arg0, %eq3A : i32
    %convert_element_type3A = arith.extui %eq3A_0 : i1 to i32
    %cond3A = arith.constant 0 : i32
    %cond3A_1 = arith.cmpi ne, %convert_element_type3A, %cond3A : i32
    scf.if %cond3A_1 {
      %get3A_17 = arith.constant 0 : index
      %get3A_18 = arith.constant 0 : index
      %get3A_19 = vector.load %arg1[%get3A_17, %get3A_18] : memref<1x15xf32, #tpu.memory_space<vmem>>, vector<1x15xf32>
      %get3A_20 = arith.constant 0 : index
      %get3A_21 = arith.constant 0 : index
      %get3A_22 = vector.load %arg2[%get3A_20, %get3A_21] : memref<480x15xf32, #tpu.memory_space<vmem>>, vector<480x15xf32>
      %dot_general3A_23 = arith.constant dense<0.000000e+00> : vector<1x480xf32>
      %dot_general3A_24 = tpu.matmul %get3A_19, %get3A_22, %dot_general3A_23 {dimension_numbers = #tpu.dot_dimension_numbers<[1], [1], [0], [0], [0, 0, 1, 0], [], []>, transpose_lhs_hint = false} : vector<1x15xf32>, vector<480x15xf32>, vector<1x480xf32> -> vector<1x480xf32>
      %get3A_25 = arith.constant 0 : index
      %get3A_26 = arith.constant 0 : index
      %get3A_27 = vector.load %arg3[%get3A_25, %get3A_26] : memref<1x480xf32, #tpu.memory_space<vmem>>, vector<1x480xf32>
      %add3A_28 = arith.addf %dot_general3A_24, %get3A_27 : vector<1x480xf32>
      %max3A_29 = arith.constant 0.000000e+00 : f32
      %max3A_30 = vector.broadcast %max3A_29 : f32 to vector<1x480xf32>
      %max3A_31 = arith.maximumf %add3A_28, %max3A_30 : vector<1x480xf32>
      %swap3A_32 = arith.constant 0 : index
      %swap3A_33 = arith.constant 0 : index
      %swap3A_34 = vector.load %arg7[%swap3A_32, %swap3A_33] : memref<1x480xf32, #tpu.memory_space<vmem>>, vector<1x480xf32>
      tpu.vector_store %arg7[%swap3A_32, %swap3A_33], %max3A_31 {strides = array<i32>} : memref<1x480xf32, #tpu.memory_space<vmem>>, vector<1x480xf32>,
    } else {
    }
    %get3A = arith.constant 0 : index
    %get3A_2 = arith.constant 0 : index
    %get3A_3 = vector.load %arg7[%get3A, %get3A_2] : memref<1x480xf32, #tpu.memory_space<vmem>>, vector<1x480xf32>
    %get3A_4 = arith.constant 0 : index
    %get3A_5 = arith.constant 0 : index
    %get3A_6 = vector.load %arg4[%get3A_4, %get3A_5] : memref<640x480xf32, #tpu.memory_space<vmem>>, vector<640x480xf32>
    %dot_general3A = arith.constant dense<0.000000e+00> : vector<1x640xf32>
    %dot_general3A_7 = tpu.matmul %get3A_3, %get3A_6, %dot_general3A {dimension_numbers = #tpu.dot_dimension_numbers<[1], [1], [0], [0], [0, 0, 1, 0], [], []>, transpose_lhs_hint = false} : vector<1x480xf32>, vector<640x480xf32>, vector<1x640xf32> -> vector<1x640xf32>
    %get3A_8 = arith.constant 0 : index
    %get3A_9 = arith.constant 0 : index
    %get3A_10 = arith.constant 0 : index
    %get3A_11 = vector.load %arg5[%get3A_8, %get3A_9, %get3A_10] : memref<1x1x640xf32, #tpu.memory_space<vmem>>, vector<1x1x640xf32>
    %get3A_12 = vector.shape_cast %get3A_11 : vector<1x1x640xf32> to vector<1x640xf32>
    %add3A = arith.addf %dot_general3A_7, %get3A_12 : vector<1x640xf32>
    %max3A = arith.constant 0.000000e+00 : f32
    %max3A_13 = vector.broadcast %max3A : f32 to vector<1x640xf32>
    %max3A_14 = arith.maximumf %add3A, %max3A_13 : vector<1x640xf32>
    %swap3A = arith.constant 0 : index
    %swap3A_15 = arith.constant 0 : index
    %swap3A_16 = vector.load %arg6[%swap3A, %swap3A_15] : memref<1x640xf32, #tpu.memory_space<vmem>>, vector<1x640xf32>
    tpu.vector_store %arg6[%swap3A, %swap3A_15], %max3A_14 {strides = array<i32>} : memref<1x640xf32, #tpu.memory_space<vmem>>, vector<1x640xf32>,
    return
  }
  func.func @transform_0(%arg0: i32) -> (i32, i32) {
    %c0_i32 = arith.constant 0 : i32
    %c0_i32_0 = arith.constant 0 : i32
    %c0_i32_1 = arith.constant 0 : i32
    return %c0_i32, %c0_i32_0 : i32, i32
  }
  func.func @transform_1(%arg0: i32) -> (i32, i32) {
    %c0_i32 = arith.constant 0 : i32
    %c0_i32_0 = arith.constant 0 : i32
    %c0_i32_1 = arith.constant 0 : i32
    return %c0_i32, %c0_i32_0 : i32, i32
  }
  func.func @transform_2(%arg0: i32) -> (i32, i32) {
    %c0_i32 = arith.constant 0 : i32
    %c0_i32_0 = arith.constant 0 : i32
    %c0_i32_1 = arith.constant 0 : i32
    return %c0_i32, %c0_i32_0 : i32, i32
  }
  func.func @transform_3(%arg0: i32) -> (i32, i32) {
    %c0_i32 = arith.constant 0 : i32
    %c0_i32_0 = arith.constant 0 : i32
    return %arg0, %c0_i32 : i32, i32
  }
  func.func @transform_4(%arg0: i32) -> (i32, i32, i32) {
    %c0_i32 = arith.constant 0 : i32
    %c0_i32_0 = arith.constant 0 : i32
    %c0_i32_1 = arith.constant 0 : i32
    return %arg0, %c0_i32, %c0_i32_0 : i32, i32, i32
  }
  func.func @transform_5(%arg0: i32) -> (i32, i32) {
    %c0_i32 = arith.constant 0 : i32
    %c0_i32_0 = arith.constant 0 : i32
    return %c0_i32, %arg0 : i32, i32
  }
}

module attributes {stable_mosaic.version = 14 : i64} {
  func.func @_tc_gemv_body(%arg0: i32, %arg1: memref<1x1920xf32, #tpu.memory_space<vmem>>, %arg2: memref<128x1920xf32, #tpu.memory_space<vmem>>, %arg3: memref<1x1x128xf32, #tpu.memory_space<vmem>>, %arg4: memref<1x128xf32, #tpu.memory_space<vmem>>) attributes {dimension_semantics = [#tpu.dimension_semantics<arbitrary>], iteration_bounds = array<i64: 7>, scalar_prefetch = 0 : i64, scratch_operands = 0 : i64, tpu.core_type = #tpu.core_type<tc>, window_params = [{pipeline_mode = #tpu.pipeline_mode<synchronous>, transform_indices = @transform_0, window_bounds = array<i64: 1, 1920>}, {transform_indices = @transform_1, window_bounds = array<i64: 128, 1920>}, {transform_indices = @transform_2, window_bounds = array<i64: 1, 1, 128>}, {transform_indices = @transform_3, window_bounds = array<i64: 1, 128>}]} {
    %get3A = arith.constant 0 : index
    %get3A_0 = arith.constant 0 : index
    %get3A_1 = vector.load %arg1[%get3A, %get3A_0] : memref<1x1920xf32, #tpu.memory_space<vmem>>, vector<1x1920xf32>
    %get3A_2 = arith.constant 0 : index
    %get3A_3 = arith.constant 0 : index
    %get3A_4 = vector.load %arg2[%get3A_2, %get3A_3] : memref<128x1920xf32, #tpu.memory_space<vmem>>, vector<128x1920xf32>
    %dot_general3A = arith.constant dense<0.000000e+00> : vector<1x128xf32>
    %dot_general3A_5 = tpu.matmul %get3A_1, %get3A_4, %dot_general3A {dimension_numbers = #tpu.dot_dimension_numbers<[1], [1], [0], [0], [0, 0, 1, 0], [], []>, transpose_lhs_hint = false} : vector<1x1920xf32>, vector<128x1920xf32>, vector<1x128xf32> -> vector<1x128xf32>
    %get3A_6 = arith.constant 0 : index
    %get3A_7 = arith.constant 0 : index
    %get3A_8 = arith.constant 0 : index
    %get3A_9 = vector.load %arg3[%get3A_6, %get3A_7, %get3A_8] : memref<1x1x128xf32, #tpu.memory_space<vmem>>, vector<1x1x128xf32>
    %get3A_10 = vector.shape_cast %get3A_9 : vector<1x1x128xf32> to vector<1x128xf32>
    %add3A = arith.addf %dot_general3A_5, %get3A_10 : vector<1x128xf32>
    %swap3A = arith.constant 0 : index
    %swap3A_11 = arith.constant 0 : index
    %swap3A_12 = vector.load %arg4[%swap3A, %swap3A_11] : memref<1x128xf32, #tpu.memory_space<vmem>>, vector<1x128xf32>
    tpu.vector_store %arg4[%swap3A, %swap3A_11], %add3A {strides = array<i32>} : memref<1x128xf32, #tpu.memory_space<vmem>>, vector<1x128xf32>,
    return
  }
  func.func @transform_0(%arg0: i32) -> (i32, i32) {
    %c0_i32 = arith.constant 0 : i32
    %c0_i32_0 = arith.constant 0 : i32
    %c0_i32_1 = arith.constant 0 : i32
    return %c0_i32, %c0_i32_0 : i32, i32
  }
  func.func @transform_1(%arg0: i32) -> (i32, i32) {
    %c0_i32 = arith.constant 0 : i32
    %c0_i32_0 = arith.constant 0 : i32
    return %arg0, %c0_i32 : i32, i32
  }
  func.func @transform_2(%arg0: i32) -> (i32, i32, i32) {
    %c0_i32 = arith.constant 0 : i32
    %c0_i32_0 = arith.constant 0 : i32
    %c0_i32_1 = arith.constant 0 : i32
    return %arg0, %c0_i32, %c0_i32_0 : i32, i32, i32
  }
  func.func @transform_3(%arg0: i32) -> (i32, i32) {
    %c0_i32 = arith.constant 0 : i32
    %c0_i32_0 = arith.constant 0 : i32
    return %c0_i32, %arg0 : i32, i32
  }
}

module attributes {stable_mosaic.version = 14 : i64} {
  func.func @_tail_body(%arg0: memref<1x896xf32, #tpu.memory_space<vmem>>, %arg1: memref<1x1024xf32, #tpu.memory_space<vmem>>, %arg2: memref<1x225xi32, #tpu.memory_space<vmem>>, %arg3: memref<1x225xi32, #tpu.memory_space<vmem>>, %arg4: memref<1x3xf32, #tpu.memory_space<vmem>>, %arg5: memref<128x128xf32, #tpu.memory_space<vmem>>, %arg6: memref<1x128xf32, #tpu.memory_space<vmem>>, %arg7: memref<64x128xf32, #tpu.memory_space<vmem>>, %arg8: memref<1x64xf32, #tpu.memory_space<vmem>>, %arg9: memref<64x64xf32, #tpu.memory_space<vmem>>, %arg10: memref<3x64xf32, #tpu.memory_space<vmem>>, %arg11: memref<1x3xf32, #tpu.memory_space<vmem>>, %arg12: memref<1x1xf32, #tpu.memory_space<vmem>>, %arg13: memref<1x3xf32, #tpu.memory_space<vmem>>) attributes {dimension_semantics = [], scalar_prefetch = 0 : i64, scratch_operands = 0 : i64, tpu.core_type = #tpu.core_type<tc>} {
    %get3A = arith.constant 0 : index
    %get3A_0 = arith.constant 0 : index
    %get3A_1 = vector.load %arg0[%get3A, %get3A_0] : memref<1x896xf32, #tpu.memory_space<vmem>>, vector<1x896xf32>
    %get3A_2 = arith.constant 0 : index
    %get3A_3 = arith.constant 0 : index
    %get3A_4 = vector.load %arg1[%get3A_2, %get3A_3] : memref<1x1024xf32, #tpu.memory_space<vmem>>, vector<1x1024xf32>
    %slice3A = vector.extract_strided_slice %get3A_1 {offsets = [0, 0], sizes = [1, 128], strides = [1, 1]} : vector<1x896xf32> to vector<1x128xf32>
    %slice3A_5 = vector.extract_strided_slice %get3A_1 {offsets = [0, 128], sizes = [1, 128], strides = [1, 1]} : vector<1x896xf32> to vector<1x128xf32>
    %slice3A_6 = vector.extract_strided_slice %get3A_1 {offsets = [0, 256], sizes = [1, 128], strides = [1, 1]} : vector<1x896xf32> to vector<1x128xf32>
    %slice3A_7 = vector.extract_strided_slice %get3A_1 {offsets = [0, 384], sizes = [1, 128], strides = [1, 1]} : vector<1x896xf32> to vector<1x128xf32>
    %slice3A_8 = vector.extract_strided_slice %get3A_1 {offsets = [0, 512], sizes = [1, 128], strides = [1, 1]} : vector<1x896xf32> to vector<1x128xf32>
    %slice3A_9 = vector.extract_strided_slice %get3A_1 {offsets = [0, 640], sizes = [1, 128], strides = [1, 1]} : vector<1x896xf32> to vector<1x128xf32>
    %slice3A_10 = vector.extract_strided_slice %get3A_1 {offsets = [0, 768], sizes = [1, 128], strides = [1, 1]} : vector<1x896xf32> to vector<1x128xf32>
    %slice3A_11 = vector.extract_strided_slice %get3A_4 {offsets = [0, 0], sizes = [1, 128], strides = [1, 1]} : vector<1x1024xf32> to vector<1x128xf32>
    %slice3A_12 = vector.extract_strided_slice %get3A_4 {offsets = [0, 128], sizes = [1, 128], strides = [1, 1]} : vector<1x1024xf32> to vector<1x128xf32>
    %slice3A_13 = vector.extract_strided_slice %get3A_4 {offsets = [0, 256], sizes = [1, 128], strides = [1, 1]} : vector<1x1024xf32> to vector<1x128xf32>
    %slice3A_14 = vector.extract_strided_slice %get3A_4 {offsets = [0, 384], sizes = [1, 128], strides = [1, 1]} : vector<1x1024xf32> to vector<1x128xf32>
    %slice3A_15 = vector.extract_strided_slice %get3A_4 {offsets = [0, 512], sizes = [1, 128], strides = [1, 1]} : vector<1x1024xf32> to vector<1x128xf32>
    %slice3A_16 = vector.extract_strided_slice %get3A_4 {offsets = [0, 640], sizes = [1, 128], strides = [1, 1]} : vector<1x1024xf32> to vector<1x128xf32>
    %slice3A_17 = vector.extract_strided_slice %get3A_4 {offsets = [0, 768], sizes = [1, 128], strides = [1, 1]} : vector<1x1024xf32> to vector<1x128xf32>
    %slice3A_18 = vector.extract_strided_slice %get3A_4 {offsets = [0, 896], sizes = [1, 128], strides = [1, 1]} : vector<1x1024xf32> to vector<1x128xf32>
    %concatenate3A = tpu.concatenate %slice3A, %slice3A_5, %slice3A_6, %slice3A_7, %slice3A_8, %slice3A_9, %slice3A_10, %slice3A_11, %slice3A_12, %slice3A_13, %slice3A_14, %slice3A_15, %slice3A_16, %slice3A_17, %slice3A_18 in 0 : vector<1x128xf32>, vector<1x128xf32>, vector<1x128xf32>, vector<1x128xf32>, vector<1x128xf32>, vector<1x128xf32>, vector<1x128xf32>, vector<1x128xf32>, vector<1x128xf32>, vector<1x128xf32>, vector<1x128xf32>, vector<1x128xf32>, vector<1x128xf32>, vector<1x128xf32>, vector<1x128xf32> -> vector<15x128xf32>
    %get3A_19 = arith.constant 0 : index
    %get3A_20 = arith.constant 0 : index
    %get3A_21 = vector.load %arg2[%get3A_19, %get3A_20] : memref<1x225xi32, #tpu.memory_space<vmem>>, vector<1x225xi32>
    %get3A_22 = arith.constant 0 : index
    %get3A_23 = arith.constant 0 : index
    %get3A_24 = vector.load %arg3[%get3A_22, %get3A_23] : memref<1x225xi32, #tpu.memory_space<vmem>>, vector<1x225xi32>
    %iota3A = tpu.iota {dimensions = array<i32: 0>} : vector<15x225xi32>
    %eq3A = vector.broadcast %get3A_21 : vector<1x225xi32> to vector<15x225xi32>
    %eq3A_25 = arith.cmpi eq, %iota3A, %eq3A : vector<15x225xi32>
    %convert_element_type3A = arith.extui %eq3A_25 : vector<15x225xi1> to vector<15x225xi32>
    %convert_element_type3A_26 = arith.sitofp %convert_element_type3A : vector<15x225xi32> to vector<15x225xf32>
    %eq3A_27 = vector.broadcast %get3A_24 : vector<1x225xi32> to vector<15x225xi32>
    %eq3A_28 = arith.cmpi eq, %iota3A, %eq3A_27 : vector<15x225xi32>
    %convert_element_type3A_29 = arith.extui %eq3A_28 : vector<15x225xi1> to vector<15x225xi32>
    %convert_element_type3A_30 = arith.sitofp %convert_element_type3A_29 : vector<15x225xi32> to vector<15x225xf32>
    %dot_general3A = arith.constant dense<0.000000e+00> : vector<15x15xf32>
    %dot_general3A_31 = tpu.matmul %convert_element_type3A_30, %convert_element_type3A_26, %dot_general3A {dimension_numbers = #tpu.dot_dimension_numbers<[1], [1], [0], [0], [0, 0, 1, 0], [], []>, transpose_lhs_hint = false} : vector<15x225xf32>, vector<15x225xf32>, vector<15x15xf32> -> vector<15x15xf32>
    %broadcast_in_dim3A = arith.constant 1.000000e+00 : f32
    %broadcast_in_dim3A_32 = vector.broadcast %broadcast_in_dim3A : f32 to vector<1x15xf32>
    %broadcast_in_dim3A_33 = arith.constant 1.000000e+00 : f32
    %broadcast_in_dim3A_34 = vector.broadcast %broadcast_in_dim3A_33 : f32 to vector<15x1xf32>
    %dot_general3A_35 = arith.constant dense<0.000000e+00> : vector<15x1xf32>
    %dot_general3A_36 = tpu.matmul %dot_general3A_31, %broadcast_in_dim3A_34, %dot_general3A_35 {dimension_numbers = #tpu.dot_dimension_numbers<[1], [0], [0], [1], [0, 0, 1, 1], [], []>, transpose_lhs_hint = false} : vector<15x15xf32>, vector<15x1xf32>, vector<15x1xf32> -> vector<15x1xf32>
    %dot_general3A_37 = arith.constant dense<0.000000e+00> : vector<1x15xf32>
    %dot_general3A_38 = tpu.matmul %broadcast_in_dim3A_32, %dot_general3A_31, %dot_general3A_37 {dimension_numbers = #tpu.dot_dimension_numbers<[1], [1], [0], [0], [0, 0, 1, 0], [], []>, transpose_lhs_hint = false} : vector<1x15xf32>, vector<15x15xf32>, vector<1x15xf32> -> vector<1x15xf32>
    %gt3A = arith.constant 0.000000e+00 : f32
    %gt3A_39 = vector.broadcast %gt3A : f32 to vector<15x1xf32>
    %gt3A_40 = arith.cmpf ogt, %dot_general3A_36, %gt3A_39 : vector<15x1xf32>
    %rsqrt3A = math.rsqrt %dot_general3A_36 : vector<15x1xf32>
    %jit3A = arith.constant 0.000000e+00 : f32
    %broadcast_in_dim3A_41 = vector.broadcast %jit3A : f32 to vector<15x1xf32>
    %select_n3A = arith.select %gt3A_40, %rsqrt3A, %broadcast_in_dim3A_41 : vector<15x1xi1>, vector<15x1xf32>
    %gt3A_42 = arith.constant 0.000000e+00 : f32
    %gt3A_43 = vector.broadcast %gt3A_42 : f32 to vector<1x15xf32>
    %gt3A_44 = arith.cmpf ogt, %dot_general3A_38, %gt3A_43 : vector<1x15xf32>
    %rsqrt3A_45 = math.rsqrt %dot_general3A_38 : vector<1x15xf32>
    %jit3A_46 = arith.constant 0.000000e+00 : f32
    %broadcast_in_dim3A_47 = vector.broadcast %jit3A_46 : f32 to vector<1x15xf32>
    %select_n3A_48 = arith.select %gt3A_44, %rsqrt3A_45, %broadcast_in_dim3A_47 : vector<1x15xi1>, vector<1x15xf32>
    %mul3A = vector.broadcast %select_n3A : vector<15x1xf32> to vector<15x15xf32>
    %mul3A_49 = arith.mulf %dot_general3A_31, %mul3A : vector<15x15xf32>
    %mul3A_50 = vector.broadcast %select_n3A_48 : vector<1x15xf32> to vector<15x15xf32>
    %mul3A_51 = arith.mulf %mul3A_49, %mul3A_50 : vector<15x15xf32>
    %get3A_52 = arith.constant 0 : index
    %get3A_53 = arith.constant 0 : index
    %get3A_54 = vector.load %arg5[%get3A_52, %get3A_53] : memref<128x128xf32, #tpu.memory_space<vmem>>, vector<128x128xf32>
    %dot_general3A_55 = arith.constant dense<0.000000e+00> : vector<15x128xf32>
    %dot_general3A_56 = tpu.matmul %concatenate3A, %get3A_54, %dot_general3A_55 {dimension_numbers = #tpu.dot_dimension_numbers<[1], [1], [0], [0], [0, 0, 1, 0], [], []>, transpose_lhs_hint = false} : vector<15x128xf32>, vector<128x128xf32>, vector<15x128xf32> -> vector<15x128xf32>
    %dot_general3A_57 = arith.constant dense<0.000000e+00> : vector<15x128xf32>
    %dot_general3A_58 = tpu.matmul %mul3A_51, %dot_general3A_56, %dot_general3A_57 {dimension_numbers = #tpu.dot_dimension_numbers<[1], [0], [0], [1], [0, 0, 1, 1], [], []>, transpose_lhs_hint = false} : vector<15x15xf32>, vector<15x128xf32>, vector<15x128xf32> -> vector<15x128xf32>
    %get3A_59 = arith.constant 0 : index
    %get3A_60 = arith.constant 0 : index
    %get3A_61 = vector.load %arg6[%get3A_59, %get3A_60] : memref<1x128xf32, #tpu.memory_space<vmem>>, vector<1x128xf32>
    %add3A = vector.broadcast %get3A_61 : vector<1x128xf32> to vector<15x128xf32>
    %add3A_62 = arith.addf %dot_general3A_58, %add3A : vector<15x128xf32>
    %max3A = arith.constant 0.000000e+00 : f32
    %max3A_63 = vector.broadcast %max3A : f32 to vector<15x128xf32>
    %max3A_64 = arith.maximumf %add3A_62, %max3A_63 : vector<15x128xf32>
    %get3A_65 = arith.constant 0 : index
    %get3A_66 = arith.constant 0 : index
    %get3A_67 = vector.load %arg7[%get3A_65, %get3A_66] : memref<64x128xf32, #tpu.memory_space<vmem>>, vector<64x128xf32>
    %dot_general3A_68 = arith.constant dense<0.000000e+00> : vector<15x64xf32>
    %dot_general3A_69 = tpu.matmul %max3A_64, %get3A_67, %dot_general3A_68 {dimension_numbers = #tpu.dot_dimension_numbers<[1], [1], [0], [0], [0, 0, 1, 0], [], []>, transpose_lhs_hint = false} : vector<15x128xf32>, vector<64x128xf32>, vector<15x64xf32> -> vector<15x64xf32>
    %dot_general3A_70 = arith.constant dense<0.000000e+00> : vector<15x64xf32>
    %dot_general3A_71 = tpu.matmul %mul3A_51, %dot_general3A_69, %dot_general3A_70 {dimension_numbers = #tpu.dot_dimension_numbers<[1], [0], [0], [1], [0, 0, 1, 1], [], []>, transpose_lhs_hint = false} : vector<15x15xf32>, vector<15x64xf32>, vector<15x64xf32> -> vector<15x64xf32>
    %get3A_72 = arith.constant 0 : index
    %get3A_73 = arith.constant 0 : index
    %get3A_74 = vector.load %arg8[%get3A_72, %get3A_73] : memref<1x64xf32, #tpu.memory_space<vmem>>, vector<1x64xf32>
    %add3A_75 = vector.broadcast %get3A_74 : vector<1x64xf32> to vector<15x64xf32>
    %add3A_76 = arith.addf %dot_general3A_71, %add3A_75 : vector<15x64xf32>
    %get3A_77 = arith.constant 0 : index
    %get3A_78 = arith.constant 0 : index
    %get3A_79 = vector.load %arg9[%get3A_77, %get3A_78] : memref<64x64xf32, #tpu.memory_space<vmem>>, vector<64x64xf32>
    %dot_general3A_80 = arith.constant dense<0.000000e+00> : vector<15x64xf32>
    %dot_general3A_81 = tpu.matmul %add3A_76, %get3A_79, %dot_general3A_80 {dimension_numbers = #tpu.dot_dimension_numbers<[1], [0], [0], [1], [0, 0, 1, 1], [], []>, transpose_lhs_hint = false} : vector<15x64xf32>, vector<64x64xf32>, vector<15x64xf32> -> vector<15x64xf32>
    %dot_general3A_82 = arith.constant dense<0.000000e+00> : vector<1x64xf32>
    %dot_general3A_83 = tpu.matmul %broadcast_in_dim3A_32, %dot_general3A_81, %dot_general3A_82 {dimension_numbers = #tpu.dot_dimension_numbers<[1], [0], [0], [1], [0, 0, 1, 1], [], []>, transpose_lhs_hint = false} : vector<1x15xf32>, vector<15x64xf32>, vector<1x64xf32> -> vector<1x64xf32>
    %mul3A_84 = arith.constant 0.0666666701 : f32
    %mul3A_85 = vector.broadcast %mul3A_84 : f32 to vector<1x64xf32>
    %mul3A_86 = arith.mulf %dot_general3A_83, %mul3A_85 : vector<1x64xf32>
    %tanh3A = math.tanh %mul3A_86 : vector<1x64xf32>
    %dot_general3A_87 = arith.constant dense<0.000000e+00> : vector<15x1xf32>
    %dot_general3A_88 = tpu.matmul %add3A_76, %tanh3A, %dot_general3A_87 {dimension_numbers = #tpu.dot_dimension_numbers<[1], [1], [0], [0], [0, 0, 1, 0], [], []>, transpose_lhs_hint = false} : vector<15x64xf32>, vector<1x64xf32>, vector<15x1xf32> -> vector<15x1xf32>
    %logistic3A = arith.negf %dot_general3A_88 : vector<15x1xf32>
    %logistic3A_89 = math.exp %logistic3A : vector<15x1xf32>
    %logistic3A_90 = arith.constant 1.000000e+00 : f32
    %logistic3A_91 = vector.broadcast %logistic3A_90 : f32 to vector<15x1xf32>
    %logistic3A_92 = arith.addf %logistic3A_91, %logistic3A_89 : vector<15x1xf32>
    %logistic3A_93 = arith.divf %logistic3A_91, %logistic3A_92 : vector<15x1xf32>
    %mul3A_94 = vector.broadcast %logistic3A_93 : vector<15x1xf32> to vector<15x64xf32>
    %mul3A_95 = arith.mulf %add3A_76, %mul3A_94 : vector<15x64xf32>
    %reduce_sum3A = arith.constant dense<0.000000e+00> : vector<64xf32>
    %reduce_sum3A_96 = vector.multi_reduction <add>, %mul3A_95, %reduce_sum3A [0] : vector<15x64xf32> to vector<64xf32>
    %broadcast_in_dim3A_97 = vector.shape_cast %reduce_sum3A_96 : vector<64xf32> to vector<1x64xf32>
    %get3A_98 = arith.constant 0 : index
    %get3A_99 = arith.constant 0 : index
    %get3A_100 = vector.load %arg10[%get3A_98, %get3A_99] : memref<3x64xf32, #tpu.memory_space<vmem>>, vector<3x64xf32>
    %dot_general3A_101 = arith.constant dense<0.000000e+00> : vector<1x3xf32>
    %dot_general3A_102 = tpu.matmul %broadcast_in_dim3A_97, %get3A_100, %dot_general3A_101 {dimension_numbers = #tpu.dot_dimension_numbers<[1], [1], [0], [0], [0, 0, 1, 0], [], []>, transpose_lhs_hint = false} : vector<1x64xf32>, vector<3x64xf32>, vector<1x3xf32> -> vector<1x3xf32>
    %get3A_103 = arith.constant 0 : index
    %get3A_104 = arith.constant 0 : index
    %get3A_105 = vector.load %arg11[%get3A_103, %get3A_104] : memref<1x3xf32, #tpu.memory_space<vmem>>, vector<1x3xf32>
    %add3A_106 = arith.addf %dot_general3A_102, %get3A_105 : vector<1x3xf32>
    %get3A_107 = arith.constant 0 : index
    %get3A_108 = arith.constant 0 : index
    %get3A_109 = vector.load %arg4[%get3A_107, %get3A_108] : memref<1x3xf32, #tpu.memory_space<vmem>>, vector<1x3xf32>
    %iota3A_110 = tpu.iota {dimensions = array<i32: 1>} : vector<1x3xi32>
    %reduce_max3A = arith.constant dense<0xFF800000> : vector<1xf32>
    %reduce_max3A_111 = vector.multi_reduction <maximumf>, %get3A_109, %reduce_max3A [1] : vector<1x3xf32> to vector<1xf32>
    %broadcast_in_dim3A_112 = vector.shape_cast %reduce_max3A_111 : vector<1xf32> to vector<1x1xf32>
    %ge3A = vector.broadcast %broadcast_in_dim3A_112 : vector<1x1xf32> to vector<1x3xf32>
    %ge3A_113 = arith.cmpf oge, %get3A_109, %ge3A : vector<1x3xf32>
    %jit3A_114 = arith.constant 3 : i32
    %broadcast_in_dim3A_115 = vector.broadcast %jit3A_114 : i32 to vector<1x3xi32>
    %select_n3A_116 = arith.select %ge3A_113, %iota3A_110, %broadcast_in_dim3A_115 : vector<1x3xi1>, vector<1x3xi32>
    %reduce_min3A = arith.constant dense<2147483647> : vector<1xi32>
    %reduce_min3A_117 = vector.multi_reduction <minsi>, %select_n3A_116, %reduce_min3A [1] : vector<1x3xi32> to vector<1xi32>
    %broadcast_in_dim3A_118 = vector.shape_cast %reduce_min3A_117 : vector<1xi32> to vector<1x1xi32>
    %reduce_max3A_119 = arith.constant dense<0xFF800000> : vector<1xf32>
    %reduce_max3A_120 = vector.multi_reduction <maximumf>, %add3A_106, %reduce_max3A_119 [1] : vector<1x3xf32> to vector<1xf32>
    %broadcast_in_dim3A_121 = vector.shape_cast %reduce_max3A_120 : vector<1xf32> to vector<1x1xf32>
    %sub3A = vector.broadcast %broadcast_in_dim3A_121 : vector<1x1xf32> to vector<1x3xf32>
    %sub3A_122 = arith.subf %add3A_106, %sub3A : vector<1x3xf32>
    %exp3A = math.exp %sub3A_122 : vector<1x3xf32>
    %reduce_sum3A_123 = arith.constant dense<0.000000e+00> : vector<1xf32>
    %reduce_sum3A_124 = vector.multi_reduction <add>, %exp3A, %reduce_sum3A_123 [1] : vector<1x3xf32> to vector<1xf32>
    %broadcast_in_dim3A_125 = vector.shape_cast %reduce_sum3A_124 : vector<1xf32> to vector<1x1xf32>
    %sub3A_126 = vector.broadcast %broadcast_in_dim3A_121 : vector<1x1xf32> to vector<1x3xf32>
    %sub3A_127 = arith.subf %add3A_106, %sub3A_126 : vector<1x3xf32>
    %log3A = math.log %broadcast_in_dim3A_125 : vector<1x1xf32>
    %sub3A_128 = vector.broadcast %log3A : vector<1x1xf32> to vector<1x3xf32>
    %sub3A_129 = arith.subf %sub3A_127, %sub3A_128 : vector<1x3xf32>
    %eq3A_130 = vector.broadcast %broadcast_in_dim3A_118 : vector<1x1xi32> to vector<1x3xi32>
    %eq3A_131 = arith.cmpi eq, %iota3A_110, %eq3A_130 : vector<1x3xi32>
    %jit3A_132 = arith.constant 0.000000e+00 : f32
    %broadcast_in_dim3A_133 = vector.broadcast %jit3A_132 : f32 to vector<1x3xf32>
    %select_n3A_134 = arith.select %eq3A_131, %sub3A_129, %broadcast_in_dim3A_133 : vector<1x3xi1>, vector<1x3xf32>
    %reduce_sum3A_135 = arith.constant dense<0.000000e+00> : vector<1xf32>
    %reduce_sum3A_136 = vector.multi_reduction <add>, %select_n3A_134, %reduce_sum3A_135 [1] : vector<1x3xf32> to vector<1xf32>
    %broadcast_in_dim3A_137 = vector.shape_cast %reduce_sum3A_136 : vector<1xf32> to vector<1x1xf32>
    %neg3A = arith.constant 0.000000e+00 : f32
    %neg3A_138 = vector.broadcast %neg3A : f32 to vector<1x1xf32>
    %neg3A_139 = arith.subf %neg3A_138, %broadcast_in_dim3A_137 : vector<1x1xf32>
    %swap3A = arith.constant 0 : index
    %swap3A_140 = arith.constant 0 : index
    %swap3A_141 = vector.load %arg12[%swap3A, %swap3A_140] : memref<1x1xf32, #tpu.memory_space<vmem>>, vector<1x1xf32>
    tpu.vector_store %arg12[%swap3A, %swap3A_140], %neg3A_139 {strides = array<i32>} : memref<1x1xf32, #tpu.memory_space<vmem>>, vector<1x1xf32>,
    %div3A = vector.broadcast %broadcast_in_dim3A_125 : vector<1x1xf32> to vector<1x3xf32>
    %div3A_142 = arith.divf %exp3A, %div3A : vector<1x3xf32>
    %swap3A_143 = arith.constant 0 : index
    %swap3A_144 = arith.constant 0 : index
    %swap3A_145 = vector.load %arg13[%swap3A_143, %swap3A_144] : memref<1x3xf32, #tpu.memory_space<vmem>>, vector<1x3xf32>
    tpu.vector_store %arg13[%swap3A_143, %swap3A_144], %div3A_142 {strides = array<i32>} : memref<1x3xf32, #tpu.memory_space<vmem>>, vector<1x3xf32>,
    return
  }
}

</mosaic_0001>

<sc_bundles>
// kernel: kernel.6.cloned.1.call-start
scs
__scs_entry_jumppad:
0x0: {  	(pc) =	sbr.rel $0x88, $3  }
0x1: {  	(tag) =	ssettag $0x0;
	lr =	simm.s32 $0x1  }
0x2: {  	[smem:$0x3F91] =	sst lr;
	_ =	strace $0xD0000000  }
0x3: {  	_ = 	snop  }
0x4: {  	_ = 	snop  }
0x5: {  	_ = 	snop  }
0x6: {  	_ = 	snop  }
0x7: {  	_ = 	snop  }
__scs_overlays_trampoline_lowered:
0x8: {  	[smem:$0x3FA0] =	sst s0  }
0x9: {  	[smem:$0x3FA1] =	sst s1  }
0xa: {  	[smem:$0x3FA2] =	sst s2  }
0xb: {  	[smem:$0x3FA3] =	sst s3  }
0xc: {  	[smem:$0x3FA4] =	sst s4  }
0xd: {  	[smem:$0x3FA5] =	sst s5  }
0xe: {  	[smem:$0x3FA6] =	sst s6  }
0xf: {  	[smem:$0x3FA7] =	sst s7  }
0x10: {  	[smem:$0x3FA8] =	sst s8  }
0x11: {  	[smem:$0x3FA9] =	sst s9;
	s0 =	simm.s32 @!p0 $0x0  }
0x12: {  	s1 =	sld [smem:$0x3F8F];
	s0 =	simm.s32 @p0 $0x1  }
0x13: {  	[smem:$0x3FAA] =	sst s0;
	s0 =	simm.s32 @!p1 $0x0  }
0x14: {  	s2 =	sld [smem:$0x3F8E];
	s0 =	simm.s32 @p1 $0x1  }
0x15: {  	[smem:$0x3FAB] =	sst s0;
	s0 =	simm.s32 @!p2 $0x0  }
0x16: {  	s3 =	sld [smem:$0x3FDB];
	s0 =	simm.s32 @p2 $0x1  }
0x17: {  	s4 =	simm.s32 $0x1BF5;
	[smem:$0x3FAD] =	sst s0  }
0x18: {  	s0 =	sld [smem:$0x3F90];
	_ =	swait.ge [sflag:s4], $0x0  }
0x19: {  	s7 =	sld [smem:$0x3F91]  }
0x1a: {  	s8 =	sadd.s32 $0xFFFFE003, lr  }
0x1b: {  	s9 =	sadd.s32 $0xFFFFFEF7, lr;
	s5 =	simm.s32 $0xFFFFFFFF;
	p2 =	slt.u32 s8, $0xFFFFF086  }
0x1c: {  	p1 =	slt.u32 s9, $0xF7A;
	s5 =	simm.s32 @!p2 $0x0  }
0x1d: {  	s5 =	simm.s32 @p1 $0x1;
	p0 =	seq.s32 s7, s2  }
0x1e: {  	s7 =	smul.u32 @!p0 $0xF7A, s2;
	p2 =	seq.s32 @!p0 s5, $0x0  }
0x1f: {  	s9 =	smul.u32 $0xF7A, s1;
	s8 =	simm.s32 @!p0 $0x1BF5;
	p2 =	por !p2, p0  }
0x20: {  	[sflag:s8] =	ssyncset.s32 @!p0 $0xFFFFF086;
	s6 =	sadd.s32 @!p0 s3, s7;
	s7 =	simm.s32 @!p0 $0x108  }
0x21: {  	s3 =	sadd.s32 s3, s9;
	s6 =	sadd.s32 @!p0 $0x88, s6;
	s7 =	simm.s32 @p2 $0x1082  }
0x22: {  	[simem:s7], [sflag:s8] =	dma.local @!p0 [hbm:s6], $0xF7A  }
0x23: {  	s9 =	sor.u32 $0xD0000000, s2;
	s6 =	simm.s32 $0x108;
	_ =	swait.ge @!p0 [sflag:s8], $0x0  }
0x24: {  	s3 =	sadd.s32 $0x88, s3;
	s6 =	simm.s32 @!p1 $0x1082;
	[sflag:s4] =	ssyncset.s32 $0xFFFFF086  }
0x25: {  	[simem:s6], [sflag:s4] =	dma.local [hbm:s3], $0xF7A  }
0x26: {  	[smem:$0x3F91] =	sst s1;
	(tag) =	ssettag s2;
	_ =	strace s9  }
0x27: {  	s1 =	sld [smem:$0x3FA1]  }
0x28: {  	s2 =	sld [smem:$0x3FA2]  }
0x29: {  	s4 =	sld [smem:$0x3FA4]  }
0x2a: {  	p0 =	seq.s32 s5, $0x0;
	s5 =	sld [smem:$0x3FA5]  }
0x2b: {  	s6 =	sld [smem:$0x3FA6]  }
0x2c: {  	s7 =	sld [smem:$0x3FA7]  }
0x2d: {  	s3 =	simm.s32 $0x108;
	s8 =	sld [smem:$0x3FA8]  }
0x2e: {  	s3 =	simm.s32 @!p0 $0x1082;
	s9 =	sld [smem:$0x3FA9]  }
0x2f: {  	lr =	sadd.s32 s0, s3;
	s0 =	sld [smem:$0x3FA0]  }
0x30: {  	s3 =	sld [smem:$0x3FA3]  }
0x31: {  	[smem:$0x3FAC] =	sst s10  }
0x32: {  	s10 =	sld [smem:$0x3FAA];
	_ =	sdelay $0x3  }
0x33: {  	p0 =	seq.s32 s10, $0x1;
	s10 =	sld [smem:$0x3FAC];
	_ =	sdelay $0x3  }
0x34: {  	[smem:$0x3FAC] =	sst s10  }
0x35: {  	s10 =	sld [smem:$0x3FAB];
	_ =	sdelay $0x3  }
0x36: {  	p1 =	seq.s32 s10, $0x1;
	s10 =	sld [smem:$0x3FAC];
	_ =	sdelay $0x3  }
0x37: {  	[smem:$0x3FAC] =	sst s10  }
0x38: {  	s10 =	sld [smem:$0x3FAD]  }
0x39: {  	_ = 	snop;
	(pc) =	sbr.ind lr, $3  }
0x3a: {  	_ = 	snop  }
0x3b: {  	_ = 	snop  }
0x3c: {  	p2 =	seq.s32 s10, $0x1;
	s10 =	sld [smem:$0x3FAC]  }
0x3d: {  	_ =	shalt  }
0x3e: {  	_ =	shalt  }
0x3f: {  	_ =	shalt  }
0x40: {  	_ =	shalt  }
0x41: {  	_ =	shalt  }
0x42: {  	_ =	shalt  }
0x43: {  	_ =	shalt  }
0x44: {  	_ =	shalt  }
0x45: {  	_ =	shalt  }
0x46: {  	_ =	shalt  }
0x47: {  	_ =	shalt  }
0x48: {  	_ =	shalt  }
0x49: {  	_ =	shalt  }
0x4a: {  	_ =	shalt  }
0x4b: {  	_ =	shalt  }
0x4c: {  	_ =	shalt  }
0x4d: {  	_ =	shalt  }
0x4e: {  	_ =	shalt  }
0x4f: {  	_ =	shalt  }
0x50: {  	_ =	shalt  }
0x51: {  	_ =	shalt  }
0x52: {  	_ =	shalt  }
0x53: {  	_ =	shalt  }
0x54: {  	_ =	shalt  }
0x55: {  	_ =	shalt  }
0x56: {  	_ =	shalt  }
0x57: {  	_ =	shalt  }
0x58: {  	_ =	shalt  }
0x59: {  	_ =	shalt  }
0x5a: {  	_ =	shalt  }
0x5b: {  	_ =	shalt  }
0x5c: {  	_ =	shalt  }
0x5d: {  	_ =	shalt  }
0x5e: {  	_ =	shalt  }
0x5f: {  	_ =	shalt  }
0x60: {  	_ =	shalt  }
0x61: {  	_ =	shalt  }
0x62: {  	_ =	shalt  }
0x63: {  	_ =	shalt  }
0x64: {  	_ =	shalt  }
0x65: {  	_ =	shalt  }
0x66: {  	_ =	shalt  }
0x67: {  	_ =	shalt  }
0x68: {  	_ =	shalt  }
0x69: {  	_ =	shalt  }
0x6a: {  	_ =	shalt  }
0x6b: {  	_ =	shalt  }
0x6c: {  	_ =	shalt  }
0x6d: {  	_ =	shalt  }
0x6e: {  	_ =	shalt  }
0x6f: {  	_ =	shalt  }
0x70: {  	_ =	shalt  }
0x71: {  	_ =	shalt  }
0x72: {  	_ =	shalt  }
0x73: {  	_ =	shalt  }
0x74: {  	_ =	shalt  }
0x75: {  	_ =	shalt  }
0x76: {  	_ =	shalt  }
0x77: {  	_ =	shalt  }
0x78: {  	_ =	shalt  }
0x79: {  	_ =	shalt  }
0x7a: {  	_ =	shalt  }
0x7b: {  	_ =	shalt  }
0x7c: {  	_ =	shalt  }
0x7d: {  	_ =	shalt  }
0x7e: {  	_ =	shalt  }
0x7f: {  	_ =	shalt  }
0x80: {  	_ =	shalt  }
0x81: {  	_ =	shalt  }
0x82: {  	_ =	shalt  }
0x83: {  	_ =	shalt  }
0x84: {  	_ =	shalt  }
0x85: {  	_ =	shalt  }
0x86: {  	_ =	shalt  }
0x87: {  	_ =	shalt  }
.Lfunc_end0:
.L_simem_size_0:
called_computation_lowered:
.L_overlay_start_0:
0x88: {  	s2 =	sld [smem:$0x3FD9]  }
0x89: {  	s3 =	sld [smem:$0x3FFE];
	_ =	sdelay $0x1  }
0x8a: {  	s1 =	srdreg.scid  }
0x8b: {  	s0 =	sand.u32 $0x1, s1  }
0x8c: {  	s17 =	sshll.u32 s0, $0xA;
	s2 =	sadd.s32 s3, s2  }
0x8d: {  	s2 =	sadd.s32 s2, s17  }
0x8e: {  	[smem:$0x3FB8] =	sst s2  }
0x8f: {  	_ = 	snop  }
0x90: {  	s2 =	sld [smem:$0x3FC2]  }
0x91: {  	s18 =	sld [smem:$0x3FC1];
	(tm) =	ssettm $0x1  }
0x92: {  	s4 =	sld [smem:$0x3FFB];
	_ =	sdelay $0x3  }
0x93: {  	_ =	strace s4  }
0x94: {  	s4 =	sld [smem:$0x3FFC];
	_ =	sdelay $0x3  }
0x95: {  	_ =	strace s4  }
0x96: {  	s4 =	sld [smem:$0x3FFD];
	_ =	sdelay $0x3  }
0x97: {  	_ =	strace s4  }
0x98: {  	_ =	strace $0x8FFFFFFF  }
0x99: {  	s19 =	sld [smem:$0x3FDB];
	_ =	sdelay $0x1  }
0x9a: {  	s5 =	simm.s32 $_scs_section_size  }
0x9b: {  	s6 =	simm.s32 $_size__tile_overlayer_lowered;
	s7 =	simm.s32 $_tile_overlayer_lowered  }
0x9c: {  	s22 =	simm.s32 $0x1BFF;
	s21 =	sshll.u32 s7, $0x1;
	s4 =	sadd.s32 s5, s19  }
0x9d: {  	s8 =	simm.s32 $0x0;
	s20 =	sshll.u32 s6, $0x1;
	s6 =	sadd.s32 s21, s4  }
0x9e: {  	[timem:s8], [sflag:s22] =	dma.local [hbm:s6], s20  }
0x9f: {  	_ =	swait.ge [sflag:s22], s20  }
0xa0: {  	s5 =	ssub.s32 $0x0, s20;
	[sflag:s22] =	ssyncset.done $0x0  }
0xa1: {  	[sflag:s22] =	ssyncadd.s32 s5;
	_ =	sdelay $0x1  }
0xa2: {  	s23 =	simm.s32 $0x1B8B  }
0xa3: {  	_ =	swait.ge [sflag:s23], $0x1  }
0xa4: {  	[sflag:s23] =	ssyncset.done $0x0  }
0xa5: {  	s25 =	simm.s32 $0x1B8E;
	s24 =	sld [smem:$0x3FFE];
	[sflag:s23] =	ssyncadd.s32 $0xFFFFFFFF  }
0xa6: {  	s26 =	simm.s32 $execute0_lowered;
	[smem:$0x3FD2] =	sst s25  }
0xa7: {  	s6 =	sshll.u32 s26, $0x1;
	_ =	strace $0x80000046;
	[dreg:$0x1] =	wrdreg $0xFFFFFFFF  }
0xa8: {  	s28 =	simm.s32 $_size_execute0_lowered;
	s4 =	sadd.s32 s4, s6;
	[dreg:$0x0] =	wrdreg $0x0  }
0xa9: {  	s6 =	sshll.u32 s28, $0x1;
	[dreg:$0x2] =	wrdreg s4  }
0xaa: {  	[dreg:$0x3] =	wrdreg s6  }
0xab: {  	[dreg:$0x4] =	wrdreg $0xC0  }
0xac: {  	_ =	task [dreg:s8], $0x5FFFF  }
0xad: {  	[dreg:$0x1] =	wrdreg $0xFFFFFFFF  }
0xae: {  	[dreg:$0x0] =	wrdreg $0x60  }
0xaf: {  	[dreg:$0x2] =	wrdreg s24  }
0xb0: {  	[dreg:$0x3] =	wrdreg s2  }
0xb1: {  	[dreg:$0x4] =	wrdreg s18  }
0xb2: {  	[dreg:$0x5] =	wrdreg $0x9  }
0xb3: {  	_ =	task.clear_ibuf [dreg:s8], $0x6FFFF;
	_ =	strace $0x90000046  }
0xb4: {  	s29 =	simm.s32 $0x9;
	_ =	strace $0x80000048  }
0xb5: {  	_ =	swait.ge [sflag:s29], $0x1  }
0xb6: {  	[sflag:s29] =	ssyncadd.s32 $0xFFFFFFFF  }
0xb7: {  	_ =	strace $0x90000048  }
0xb8: {  	_ =	sfence  }
0xb9: {  	s30 =	sld [smem:$0x0];
	_ =	sdelay $0x2  }
0xba: {  	s31 =	sshll.u32 s1, $0xD;
	s1 =	sshrl.u32 s1, $0x2  }
0xbb: {  	s3 =	sand.u32 $0x4000, s31;
	s1 =	sadd.s32 s1, s30  }
0xbc: {  	s0 =	sor.u32 s3, s0;
	s1 =	sshll.u32 s1, $0x11  }
0xbd: {  	s0 =	sor.u32 s1, s0  }
0xbe: {  	s0 =	sadd.s32 $0x8F2B, s0  }
0xbf: {  	[sflag:s0] =	ssyncadd.remote.s32 $0x1  }
0xc0: {  	_ =	sfence.sel $0xFFFF  }
0xc1: {  	[dreg:$0x0] =	wrdreg $0xFFFFFFFF;
	(pc) =	sbr.abs _section_cstart, $3  }
0xc2: {  	[dreg:$0x1] =	wrdreg $0xFFFFFFFF  }
0xc3: {  	_ =	task.clear_ibuf [dreg:s8], $0x2FFFF;
	_ =	strace $0x9FFFFFFF  }
0xc4: {  	(tm) =	ssettm $0x7FFFFFFF  }
0xc5: {  	_ =	shalt  }
tec
execute0_lowered:
.L_overlay_start_1:
0x0: {  	(tag) =	ssettag $0x1  }
0x1: {  	v0 =	vimm.s32 $0xEFCDAB89;
	v1 =	vimm.s32 $0x67452301  }
0x2: {  	v2 =	vimm.s32 $0xDCFE98BA;
	v3 =	vimm.s32 $0x54761032;
	v4 =	vimm.s32 $0xBA98FEDC  }
0x3: {  	v5 =	vimm.s32 $0x32107654;
	v6 =	vimm.s32 $0xFEDCBA98;
	v7 =	vimm.s32 $0x76543210  }
0x4: {  	vm0 =	vmmov $0x1;
	vm1 =	vmmov $0x3;
	vm2 =	vmmov $0x7  }
0x5: {  	vm3 =	vmmov $0xf;
	vm4 =	vmmov $0x1f;
	vm5 =	vmmov $0x3f  }
0x6: {  	s1 =	srdreg.scid;
	vm6 =	vmmov $0x7f;
	vm7 =	vmmov $0xff;
	vm8 =	vmmov $0x1ff  }
0x7: {  	s4 =	rddreg [dreg:$0x0];
	s0 =	stileid.u32;
	vm9 =	vmmov $0x3ff;
	vm10 =	vmmov $0x7ff;
	vm11 =	vmmov $0xfff;
	s3 =	sand.u32 $0x1, s1  }
0x8: {  	s5 =	rddreg [dreg:$0x1];
	vm12 =	vmmov $0x1fff;
	v0 =	vunpack.c.l.s4.s8 v0;
	v1 =	vunpack.c.l.s4.s8 v1;
	s31 =	sshll.u32 s0, $0x6;
	s2 =	sshll.u32 s3, $0x5  }
0x9: {  	s6 =	rddreg [dreg:$0x2];
	v2 =	vunpack.c.l.s4.s8 v2;
	v3 =	vunpack.c.l.s4.s8 v3;
	v4 =	vunpack.c.l.s4.s8 v4;
	s7 =	sor.u32 s2, s31  }
0xa: {  	s12 =	simm.s32 $0x0;
	v5 =	vunpack.c.l.s4.s8 v5;
	v6 =	vunpack.c.l.s4.s8 v6;
	v7 =	vunpack.c.l.s4.s8 v7;
	s1 =	rddreg [dreg:$0x3];
	s7 =	sshrl.u32 s7, $0x3  }
0xb: {  	s8 =	ssub.s32 $0x2, s3;
	s3 =	sadd.s32 $0x3200, s4;
	v0 =	vunpack.c.0.s8.s32 v0;
	v1 =	vunpack.c.0.s8.s32 v1;
	v2 =	vunpack.c.0.s8.s32 v2;
	s9 =	sadd.s32 $0x70, s7  }
0xc: {  	v3 =	vunpack.c.0.s8.s32 v3;
	v4 =	vunpack.c.0.s8.s32 v4;
	v5 =	vunpack.c.0.s8.s32 v5;
	s2 =	simm.s32 $0x0;
	s10 =	sshrl.u32 s8, $0x1;
	s11 =	smul.u32 $0x780, s9  }
0xd: {  	vm13 =	vmmov $0x3fff;
	[smem:$0x7FF] =	sst s2;
	s8 =	ssub.s32 s8, s10;
	s10 =	simm.s32 $0xF780;
	v0 =	vcombine.low v1, v0;
	v1 =	vunpack.c.0.s8.s32 v6  }
0xe: {  	v2 =	vcombine.low v3, v2;
	v3 =	vcombine.low v5, v4;
	v4 =	vunpack.c.0.s8.s32 v7;
	_ =	strace $0x80000047;
	s7 =	sadd.s32 s7, s4;
	s4 =	sadd.s32 s5, s11  }
0xf: {  	vm14 =	vmmov $0x7fff;
	v0 =	vand.u32 $0xF, v0;
	v5 =	vand.u32 $0xF, v1;
	s5 =	sadd.s32 s6, s9;
	s6 =	sadd.s32 $0x3400, s7;
	s7 =	smax.u32 s8, $0x1  }
0x10: {  	v1 =	vand.u32 $0xF, v2;
	v2 =	vand.u32 $0xF, v3;
	v3 =	vcombine.low v5, v4;
	s8 =	simm.s32 $0x1;
	s9 =	simm.s32 $0x780;
	s11 =	simm.s32 $0xF800  }
.LBB2_1:
0x11: {  	[tilespmem:s2], [sflag:$0x1] =	stream.linear.gather [hbm4b:s3+s2], $0x780, $0x38;
	[tilespmem:$0xF880] =	vst v63  }
0x12: {  	_ =	swait.ge [sflag:s8], $0x780  }
0x13: {  	[sflag:s8] =	ssyncset.done $0x0  }
0x14: {  	[sflag:s8] =	ssyncadd.s32 $0xFFFFF880  }
0x15: {  	[tilespmem:s9], [sflag:$0x1] =	stream.linear.gather [hbm4b:s4+s2], $0xF000, $0x38;
	[tilespmem:$0xF880] =	vst v63  }
0x16: {  	_ =	swait.ge [sflag:s8], $0xF000  }
0x17: {  	[sflag:s8] =	ssyncset.done $0x0  }
0x18: {  	[sflag:s8] =	ssyncadd.s32 $0xFFFF1000  }
0x19: {  	[tilespmem:s10], [sflag:$0x1] =	stream.linear.gather [hbm4b:s5+s2], $0x20, $0x38;
	[tilespmem:$0xF880] =	vst v63  }
0x1a: {  	_ =	swait.ge [sflag:s8], $0x20  }
0x1b: {  	[sflag:s8] =	ssyncset.done $0x0  }
0x1c: {  	p1 =	por $0x1, $0x1;
	s13 =	simm.s32 $0x0;
	[sflag:s8] =	ssyncadd.s32 $0xFFFFFFE0  }
.LBB2_2:
0x1d: {  	s14 =	smul.u32 $0x1E000, s13;
	_ =	sdelay $0x1  }
0x1e: {  	s16 =	simm.s32 $0x0;
	s14 =	sshra.s32 s14, $0x2  }
0x1f: {  	s17 =	sand.u32 $0x3C00, s16;
	s15 =	sor.u32 $0x780, s14  }
0x20: {  	s18 =	sand.u32 $0x70, s16;
	s19 =	sadd.s32 s17, s15  }
0x21: {  	v4 =	vld [tilespmem:s16+$0x0];
	s16 =	sadd.s32 s18, s19  }
0x22: {  	v5 =	vld [tilespmem:s16+$0x3F80]  }
0x23: {  	v6 =	vld [tilespmem:s16+$0x0]  }
0x24: {  	v7 =	vld [tilespmem:s16+$0x80]  }
0x25: {  	s14 =	sadd.s32 $0x4380, s14;
	v9 =	vld [tilespmem:s16+$0x100]  }
0x26: {  	s17 =	sadd.s32 s17, s14;
	v10 =	vld [tilespmem:s16+$0x180]  }
0x27: {  	s17 =	sadd.s32 s18, s17;
	v16 =	vld [tilespmem:s16+$0x380]  }
0x28: {  	v17 =	vld [tilespmem:s17+$0x0]  }
0x29: {  	v11 =	vld [tilespmem:s16+$0x200]  }
0x2a: {  	v13 =	vimm.f32 $0.0e+00;
	v20 =	vimm.f32 $0.0e+00;
	v14 =	vld [tilespmem:s16+$0x280]  }
0x2b: {  	v19 =	vimm.f32 $0.0e+00;
	v15 =	vld [tilespmem:s16+$0x300];
	v5 =	vmul.f32 v5, v4;
	v6 =	vmul.f32 v6, v4  }
0x2c: {  	v18 =	vimm.f32 $0.0e+00;
	v7 =	vmul.f32 v7, v4;
	v26 =	vmul.f32 v16, v4  }
0x2d: {  	v27 =	vmul.f32 v17, v4;
	v17 =	vimm.f32 $0.0e+00;
	v16 =	vimm.f32 $0.0e+00  }
0x2e: {  	v24 =	vld [tilespmem:s16+$0x3C80];
	v12 =	vadd.f32 v5, v13;
	v8 =	vadd.f32 v6, v13;
	v6 =	vmul.f32 v9, v4  }
0x2f: {  	v22 =	vld [tilespmem:s16+$0x3D00];
	v9 =	vmul.f32 v10, v4;
	v5 =	vadd.f32 v7, v13;
	v10 =	vmul.f32 v11, v4  }
0x30: {  	v21 =	vld [tilespmem:s16+$0x3D80];
	v11 =	vmul.f32 v14, v4;
	v14 =	vmul.f32 v15, v4;
	v6 =	vadd.f32 v6, v13  }
0x31: {  	s20 =	simm.s32 $0x10;
	p0 =	por p1, p1;
	v23 =	vld [tilespmem:s16+$0x3E00];
	s17 =	simm.s32 $0x80;
	v15 =	vimm.f32 $0.0e+00;
	v7 =	vadd.f32 v9, v13;
	v9 =	vadd.f32 v10, v13  }
0x32: {  	s19 =	simm.s32 $0x20;
	s18 =	simm.s32 $0x10;
	v25 =	vld [tilespmem:s16+$0x3E80];
	s21 =	sand.u32 $0x3C00, s17;
	v10 =	vadd.f32 v11, v13;
	v11 =	vadd.f32 v14, v13;
	v14 =	vimm.f32 $0.0e+00  }
.LBB2_3:
0x33: {  	p1 =	sne.s32 s19, $0x770;
	s22 =	sand.u32 $0x70, s20;
	s20 =	sadd.s32 s21, s15;
	v13 =	vadd.f32 v26, v13;
	v24 =	vmul.f32 v24, v4;
	v26 =	vld [tilespmem:s16+$0x3F00]  }
0x34: {  	s21 =	sadd.s32 s21, s14;
	v28 =	vld [tilespmem:s18+$0x0];
	s16 =	sadd.s32 s22, s20;
	v17 =	vadd.f32 v27, v17;
	v22 =	vmul.f32 v22, v4;
	s20 =	smov.u32 s19  }
0x35: {  	s21 =	sadd.s32 s22, s21;
	v27 =	vld [tilespmem:s16+$0x3F80];
	v20 =	vadd.f32 v24, v20;
	v21 =	vmul.f32 v21, v4  }
0x36: {  	v24 =	vld [tilespmem:s16+$0x0];
	v19 =	vadd.f32 v22, v19;
	v22 =	vmul.f32 v23, v4  }
0x37: {  	v23 =	vld [tilespmem:s16+$0x80];
	v15 =	vadd.f32 v21, v15;
	v21 =	vmul.f32 v25, v4  }
0x38: {  	v25 =	vld [tilespmem:s16+$0x100];
	v18 =	vadd.f32 v22, v18;
	v22 =	vmul.f32 v26, v4  }
0x39: {  	v26 =	vld [tilespmem:s16+$0x180];
	v16 =	vadd.f32 v21, v16;
	v4 =	vmov v28  }
0x3a: {  	v21 =	vld [tilespmem:s16+$0x200];
	v27 =	vmul.f32 v27, v4;
	v14 =	vadd.f32 v22, v14  }
0x3b: {  	v22 =	vmul.f32 v24, v4;
	v28 =	vld [tilespmem:s16+$0x280]  }
0x3c: {  	v23 =	vmul.f32 v23, v4;
	v29 =	vld [tilespmem:s16+$0x300];
	v12 =	vadd.f32 v27, v12  }
0x3d: {  	v8 =	vadd.f32 v22, v8;
	v22 =	vmul.f32 v25, v4;
	v25 =	vld [tilespmem:s16+$0x380]  }
0x3e: {  	v5 =	vadd.f32 v23, v5;
	v23 =	vmul.f32 v26, v4;
	v27 =	vld [tilespmem:s21+$0x0]  }
.Ltmp0:
0x3f: {  	v6 =	vadd.f32 v22, v6;
	v21 =	vmul.f32 v21, v4;
	v24 =	vld [tilespmem:s16+$0x3C80];
	(pc) =	sbr.rel @p1 .LBB2_3-.Ltmp0, $4  }
0x40: {  	v7 =	vadd.f32 v23, v7;
	v23 =	vmul.f32 v28, v4;
	v22 =	vld [tilespmem:s16+$0x3D00]  }
0x41: {  	v9 =	vadd.f32 v21, v9;
	v28 =	vmul.f32 v29, v4;
	v21 =	vld [tilespmem:s16+$0x3D80]  }
0x42: {  	s17 =	sadd.s32 $0x80, s17;
	v10 =	vadd.f32 v23, v10;
	v26 =	vmul.f32 v25, v4;
	v23 =	vld [tilespmem:s16+$0x3E00]  }
0x43: {  	s19 =	sadd.s32 $0x10, s19;
	s18 =	sadd.s32 $0x10, s18;
	s21 =	sand.u32 $0x3C00, s17;
	v11 =	vadd.f32 v28, v11;
	v27 =	vmul.f32 v27, v4;
	v25 =	vld [tilespmem:s16+$0x3E80]  }
0x44: {  	s17 =	sand.u32 $0x70, s20;
	s15 =	sadd.s32 s21, s15;
	v28 =	vld [tilespmem:s16+$0x3F00]  }
0x45: {  	v29 =	vld [tilespmem:s18+$0x0];
	s15 =	sadd.s32 s17, s15  }
0x46: {  	v30 =	vld [tilespmem:s15+$0x3F80]  }
0x47: {  	v31 =	vld [tilespmem:s15+$0x0]  }
0x48: {  	v32 =	vld [tilespmem:s15+$0x80]  }
0x49: {  	v33 =	vld [tilespmem:s15+$0x100]  }
0x4a: {  	v39 =	vld [tilespmem:s15+$0x180]  }
0x4b: {  	v40 =	vld [tilespmem:s15+$0x200]  }
0x4c: {  	v43 =	vld [tilespmem:s15+$0x280]  }
0x4d: {  	v24 =	vmul.f32 v24, v4;
	v13 =	vadd.f32 v26, v13;
	s14 =	sadd.s32 s21, s14;
	v22 =	vmul.f32 v22, v4;
	v45 =	vld [tilespmem:s15+$0x300]  }
0x4e: {  	v17 =	vadd.f32 v27, v17;
	s14 =	sadd.s32 s17, s14;
	v21 =	vmul.f32 v21, v4;
	v47 =	vld [tilespmem:s15+$0x380];
	v41 =	vmul.f32 v23, v4  }
0x4f: {  	v20 =	vadd.f32 v24, v20;
	v51 =	vld [tilespmem:s14+$0x0];
	v42 =	vmul.f32 v25, v4;
	v4 =	vmul.f32 v28, v4  }
0x50: {  	v54 =	vld [tilespmem:s15+$0x3C80];
	v19 =	vadd.f32 v22, v19;
	v44 =	vmul.f32 v30, v29;
	v46 =	vmul.f32 v31, v29  }
0x51: {  	v57 =	vld [tilespmem:s15+$0x3D00];
	v15 =	vadd.f32 v21, v15;
	v48 =	vmul.f32 v32, v29;
	v49 =	vmul.f32 v33, v29  }
0x52: {  	v62 =	vld [tilespmem:s15+$0x3D80];
	v18 =	vadd.f32 v41, v18;
	v50 =	vmul.f32 v39, v29;
	v52 =	vmul.f32 v40, v29  }
0x53: {  	v34 =	vld [tilespmem:s15+$0x3E80];
	v16 =	vadd.f32 v42, v16;
	v53 =	vmul.f32 v43, v29;
	v55 =	vmul.f32 v45, v29  }
0x54: {  	v37 =	vld [tilespmem:s15+$0x3F00];
	v14 =	vadd.f32 v4, v14;
	v56 =	vmul.f32 v47, v29;
	v60 =	vmul.f32 v51, v29  }
0x55: {  	v28 =	vld [tilespmem:s15+$0x3E00];
	v21 =	vmul.f32 v54, v29;
	v4 =	vadd.f32 v44, v12;
	v8 =	vadd.f32 v46, v8  }
0x56: {  	v32 =	vmul.f32 v57, v29;
	v5 =	vadd.f32 v48, v5;
	v6 =	vadd.f32 v49, v6  }
0x57: {  	v36 =	vmul.f32 v62, v29;
	v7 =	vadd.f32 v50, v7;
	v9 =	vadd.f32 v52, v9  }
0x58: {  	v23 =	vmul.f32 v34, v29;
	v10 =	vadd.f32 v53, v10;
	v11 =	vadd.f32 v55, v11  }
0x59: {  	v12 =	vadd.f32 v56, v13;
	v20 =	vadd.f32 v21, v20;
	v21 =	vmul.f32 v37, v29  }
0x5a: {  	v17 =	vadd.f32 v60, v17;
	v13 =	vmul.f32 v28, v29;
	v58 =	vperm.xlane v8, v0  }
0x5b: {  	v19 =	vadd.f32 v32, v19;
	v59 =	vperm.xlane v5, v0;
	v61 =	vperm.xlane v6, v0  }
0x5c: {  	v15 =	vadd.f32 v36, v15;
	v63 =	vperm.xlane v7, v0;
	v46 =	vperm.xlane v9, v0  }
0x5d: {  	v16 =	vadd.f32 v23, v16;
	v47 =	vperm.xlane v10, v0;
	v49 =	vperm.xlane v11, v0  }
0x5e: {  	v14 =	vadd.f32 v21, v14;
	v51 =	vperm.xlane v12, v0;
	v53 =	vperm.xlane v17, v0  }
0x5f: {  	v55 =	vperm.xlane v20, v0;
	v13 =	vadd.f32 v13, v18;
	v8 =	vadd.f32 v58, v8  }
0x60: {  	v34 =	vperm.xlane v19, v0;
	v5 =	vadd.f32 v59, v5;
	v6 =	vadd.f32 v61, v6  }
0x61: {  	v36 =	vperm.xlane v15, v0;
	v7 =	vadd.f32 v63, v7;
	v48 =	vadd.f32 v46, v9  }
0x62: {  	v50 =	vadd.f32 v47, v10;
	v9 =	vadd.f32 v49, v11;
	v30 =	vperm.xlane v8, v1  }
0x63: {  	v11 =	vadd.f32 v53, v17;
	v31 =	vperm.xlane v5, v1;
	v33 =	vperm.xlane v6, v1  }
0x64: {  	v37 =	vadd.f32 v34, v19;
	v35 =	vperm.xlane v7, v1;
	v52 =	vperm.xlane v48, v1  }
0x65: {  	v54 =	vperm.xlane v50, v1;
	v56 =	vperm.xlane v9, v1;
	v8 =	vadd.f32 v30, v8  }
0x66: {  	v59 =	vperm.xlane v11, v1;
	v5 =	vadd.f32 v31, v5;
	v6 =	vadd.f32 v33, v6  }
0x67: {  	v7 =	vadd.f32 v35, v7;
	v9 =	vadd.f32 v56, v9;
	v38 =	vperm.xlane v8, v2  }
0x68: {  	v10 =	vadd.f32 v59, v11;
	v39 =	vperm.xlane v5, v2;
	v40 =	vperm.xlane v6, v2  }
0x69: {  	v41 =	vperm.xlane v7, v2;
	v62 =	vperm.xlane v9, v2;
	v8 =	vadd.f32 v38, v8  }
0x6a: {  	v25 =	vperm.xlane v10, v2;
	v5 =	vadd.f32 v39, v5;
	v6 =	vadd.f32 v40, v6  }
0x6b: {  	v7 =	vadd.f32 v41, v7;
	v9 =	vadd.f32 v62, v9;
	v38 =	vperm.xlane v13, v0  }
0x6c: {  	v10 =	vadd.f32 v25, v10;
	v40 =	vperm.xlane v16, v0;
	v42 =	vperm.xlane v8, v3  }
0x6d: {  	v39 =	vadd.f32 v36, v15;
	v43 =	vperm.xlane v5, v3;
	v44 =	vperm.xlane v6, v3  }
0x6e: {  	v45 =	vperm.xlane v7, v3;
	v27 =	vperm.xlane v9, v3;
	v8 =	vadd.f32 v42, v8  }
0x6f: {  	v30 =	vperm.xlane v10, v3;
	v5 =	vadd.f32 v43, v5;
	v6 =	vadd.f32 v44, v6  }
0x70: {  	v41 =	vperm.xlane v37, v1;
	v7 =	vadd.f32 v45, v7;
	v29 =	vadd.f32 v27, v9  }
0x71: {  	v33 =	vadd.f32 v30, v10;
	v5 =	vsel vm0, v8, v5;
	v8 =	vadd.f32 v51, v12  }
0x72: {  	v12 =	vadd.f32 v55, v20;
	v5 =	vsel vm1, v5, v6;
	v6 =	vadd.f32 v52, v48  }
0x73: {  	v5 =	vsel vm2, v5, v7;
	v7 =	vadd.f32 v54, v50;
	v57 =	vperm.xlane v8, v1  }
0x74: {  	v9 =	vadd.f32 v38, v13;
	v61 =	vperm.xlane v12, v1;
	v58 =	vperm.xlane v6, v2  }
0x75: {  	v44 =	vperm.xlane v4, v0;
	v60 =	vperm.xlane v7, v2;
	v8 =	vadd.f32 v57, v8  }
0x76: {  	v45 =	vperm.xlane v9, v1;
	v12 =	vadd.f32 v61, v12;
	v6 =	vadd.f32 v58, v6  }
0x77: {  	v4 =	vadd.f32 v44, v4;
	v7 =	vadd.f32 v60, v7;
	v63 =	vperm.xlane v8, v2  }
0x78: {  	v9 =	vadd.f32 v45, v9;
	v26 =	vperm.xlane v12, v2;
	v24 =	vperm.xlane v6, v3  }
0x79: {  	v50 =	vperm.xlane v4, v1;
	v20 =	vperm.xlane v7, v3;
	v8 =	vadd.f32 v63, v8  }
0x7a: {  	v42 =	vperm.xlane v14, v0;
	v11 =	vadd.f32 v26, v12;
	v6 =	vadd.f32 v24, v6  }
0x7b: {  	v4 =	vadd.f32 v50, v4;
	v7 =	vadd.f32 v20, v7;
	v28 =	vperm.xlane v8, v3  }
0x7c: {  	v32 =	vperm.xlane v11, v3;
	v5 =	vsel vm3, v5, v6;
	v6 =	vadd.f32 v41, v37  }
0x7d: {  	v43 =	vperm.xlane v39, v1;
	v31 =	vadd.f32 v28, v8;
	v8 =	vadd.f32 v40, v16  }
0x7e: {  	v51 =	vperm.xlane v9, v2;
	v35 =	vadd.f32 v32, v11;
	v11 =	vadd.f32 v42, v14  }
0x7f: {  	v5 =	vsel vm4, v5, v7;
	v7 =	vadd.f32 v43, v39;
	v46 =	vperm.xlane v8, v1  }
0x80: {  	v9 =	vadd.f32 v51, v9;
	v47 =	vperm.xlane v6, v2;
	v48 =	vperm.xlane v11, v1  }
0x81: {  	v55 =	vperm.xlane v4, v2;
	v49 =	vperm.xlane v7, v2;
	v8 =	vadd.f32 v46, v8  }
0x82: {  	v56 =	vperm.xlane v9, v3;
	v6 =	vadd.f32 v47, v6;
	v10 =	vadd.f32 v48, v11  }
0x83: {  	v4 =	vadd.f32 v55, v4;
	v7 =	vadd.f32 v49, v7;
	v52 =	vperm.xlane v8, v2  }
0x84: {  	v5 =	vsel vm5, v5, v29;
	v53 =	vperm.xlane v6, v3;
	v54 =	vperm.xlane v10, v2  }
0x85: {  	v5 =	vsel vm6, v5, v31;
	v14 =	vperm.xlane v7, v3;
	v8 =	vadd.f32 v52, v8  }
0x86: {  	v5 =	vsel vm7, v5, v33;
	v6 =	vadd.f32 v53, v6;
	v10 =	vadd.f32 v54, v10  }
0x87: {  	v5 =	vsel vm8, v5, v35;
	v7 =	vadd.f32 v14, v7;
	v57 =	vperm.xlane v8, v3  }
0x88: {  	s13 =	sshll.u32 s13, $0x4;
	v58 =	vadd.f32 v56, v9;
	v5 =	vsel vm9, v5, v6;
	v59 =	vperm.xlane v10, v3  }
0x89: {  	v62 =	vld [tilespmem:s13+$0xF780];
	v61 =	vperm.xlane v4, v3;
	v5 =	vsel vm10, v5, v7;
	v60 =	vadd.f32 v57, v8  }
0x8a: {  	v5 =	vsel vm11, v5, v58;
	v63 =	vadd.f32 v59, v10  }
0x8b: {  	v4 =	vadd.f32 v61, v4;
	v5 =	vsel vm12, v5, v60  }
.Ltmp1:
0x8c: {  	v5 =	vsel vm13, v5, v63;
	(pc) =	sbr.rel @p0 .LBB2_2-.Ltmp1, $3  }
0x8d: {  	v4 =	vsel vm14, v5, v4  }
0x8e: {  	v4 =	vadd.f32 v4, v62;
	_ =	sdelay $0x1  }
0x8f: {  	p1 =	por $0x0, $0x0;
	[tilespmem:s13+$0xF800] =	vst v4;
	s13 =	simm.s32 $0x1  }
0x90: {  	s12 =	sadd.s32 $0x1, s12  }
0x91: {  	p0 =	sne.s32 s12, s7  }
.Ltmp2:
0x92: {  	_ = 	snop;
	(pc) =	sbr.rel @p0 .LBB2_1-.Ltmp2, $4  }
0x93: {  	[hbm4b:s6+s2] =	stream.linear.scatter [tilespmem:s11], [sflag:$0x1], $0x20, $0x38;
	[tilespmem:$0xF880] =	vst v63  }
0x94: {  	_ =	swait.ge [sflag:s8], $0x20  }
0x95: {  	[sflag:s8] =	ssyncset.done $0x0  }
0x96: {  	[sflag:s8] =	ssyncadd.s32 $0xFFFFFFE0  }
0x97: {  	_ =	sfence.sel $0x180000  }
0x98: {  	[bflag:$0x0] =	sbarrier.arrive $0xFFFF  }
0x99: {  	p0 =	sne.s32 s0, $0x0;
	_ =	strace $0x90000047  }
0x9a: {  	s0 =	sadd.s32 @!p0 $0x100000, s1;
	[bflag:$0x2] =	sbarrier.arrive $0xFFFF  }
0x9b: {  	[sflag:s0] =	ssyncadd.tile.s32 @!p0 $0x1;
	_ =	shalt  }
.Lfunc_end2:
_tile_overlayer_lowered:
.L_overlay_start_2:
0x9c: {  	(tag) =	ssettag $0x2  }
0x9d: {  	s0 =	rddreg [dreg:$0x0];
	s2 =	stileid.u32  }
0x9e: {  	s1 =	rddreg [dreg:$0x1];
	p0 =	sne.s32 s2, $0x0  }
0x9f: {  	s3 =	rddreg [dreg:$0x2];
	[bflag:$0x3] =	sbarrier.arrive $0xFFFF;
	s2 =	simm.s32 @!p0 $0x1C01  }
0xa0: {  	[timem:s3], [sflag:s2] =	dma.local @!p0 [hbm:s0], s1  }
0xa1: {  	s0 =	simm.s32 @!p0 $0x1  }
0xa2: {  	_ =	swait.ge @!p0 [sflag:s0], s1  }
0xa3: {  	s1 =	ssub.s32 @!p0 $0x0, s1;
	[sflag:s0] =	ssyncset.done @!p0 $0x0  }
0xa4: {  	[sflag:s0] =	ssyncadd.s32 @!p0 s1  }
0xa5: {  	[bflag:$0x3] =	sbarrier.arrive $0xFFFF  }
0xa6: {  	_ =	shalt  }

</sc_bundles>
